<compile_context>
chip_gen: v7x
topology: tpu7x:2x2x1
jax: 0.10.2.dev20260603
libtpu: 0.0.44.dev20260713+nightly
codegen_flags: <defaults>
</compile_context>

<pallas_src>
import functools

import jax
import jax.numpy as jnp
from jax import lax
from jax.experimental import pallas as pl
from jax.experimental.pallas import tpu as pltpu
from jax.experimental.pallas import tpu_sc as plsc


def _base_body(m_ref, p_ref, vw_ref, base_ref):
    base_ref[...] = m_ref[...] + p_ref[...] + vw_ref[...]


def _tc_body(np2, bb, x_ref, wt_ref, b_ref, ids_ref, idc_ref, p_ref,
             vw_ref, v_ref, gid_ref):
    bidx = pl.program_id(0)
    nv = ids_ref.shape[2]
    ed = x_ref.shape[2]
    dd = wt_ref.shape[1]
    pe = p_ref[...] + vw_ref[...]
    idc = idc_ref[...].reshape(bb * nv, 1)
    oh = (idc == lax.broadcasted_iota(jnp.int32, (bb * nv, np2), 1)
          ).astype(jnp.float32)
    pe_g = jnp.dot(oh, pe,
                   preferred_element_type=jnp.float32)
    xd = jnp.dot(x_ref[...].reshape(bb * nv, ed), wt_ref[...],
                 preferred_element_type=jnp.float32)
    v_ref[...] = (xd + pe_g + b_ref[...]).reshape(bb, nv, dd)
    for t in range(bb):
        gid_ref[t] = ids_ref[t] + (bidx * bb + t) * np2


def _sc_fill_body(np2, base_hbm, out_hbm, base_sh, sem):
    c = lax.axis_index("c")
    s = lax.axis_index("s")
    wid = s * 2 + c
    @pl.when(s == 0)
    def _():
        pltpu.async_copy(base_hbm, base_sh, sem).wait()
    plsc.subcore_barrier()
    f0 = pltpu.async_copy(base_sh, out_hbm.at[pl.ds((2 * wid) * np2, np2)],
                          sem)
    f1 = pltpu.async_copy(base_sh,
                          out_hbm.at[pl.ds((2 * wid + 1) * np2, np2)], sem)
    f0.wait()
    f1.wait()


def _sc_scatter_body(rpw, ch, v_hbm, gid_hbm, out_hbm,
                     idx2, buf0, buf1, semi0, semi1, semo0, semo1):
    c = lax.axis_index("c")
    s = lax.axis_index("s")
    wid = s * 2 + c
    base = wid * rpw
    nch = rpw // ch
    bufs = (buf0, buf1)
    semis = (semi0, semi1)
    semos = (semo0, semo1)
    pltpu.sync_copy(gid_hbm.at[wid], idx2)
    in_cp = [None] * nch
    out_cp = [None] * nch
    in_cp[0] = pltpu.async_copy(v_hbm.at[pl.ds(base, ch)], buf0, semi0)
    for k in range(nch):
        if k + 1 < nch:
            if k - 1 >= 0:
                out_cp[k - 1].wait()
            in_cp[k + 1] = pltpu.async_copy(
                v_hbm.at[pl.ds(base + (k + 1) * ch, ch)],
                bufs[(k + 1) % 2], semis[(k + 1) % 2])
        in_cp[k].wait()
        out_cp[k] = pltpu.async_copy(bufs[k % 2], out_hbm.at[idx2.at[k]],
                                     semos[k % 2])
    out_cp[nch - 2].wait()
    out_cp[nch - 1].wait()


def kernel(x, visible_ids, W, b, mask_tokens, pos_embeds, view_embeds):
    B, NV, ED = x.shape
    DD = W.shape[0]
    NP2 = mask_tokens.shape[1]

    wt = W.T
    b2 = b.reshape(1, DD)
    ids3 = visible_ids.reshape(B, 1, NV)
    idc3 = visible_ids.reshape(B, NV, 1)
    m2 = mask_tokens.reshape(NP2, DD)
    p2 = pos_embeds.reshape(NP2, DD)
    vw2 = view_embeds.reshape(NP2, DD)

    base = pl.pallas_call(
        _base_body,
        out_shape=jax.ShapeDtypeStruct((NP2, DD), jnp.float32),
    )(m2, p2, vw2)

    BB = 8
    v, gid = pl.pallas_call(
        functools.partial(_tc_body, NP2, BB),
        grid=(B // BB,),
        in_specs=[
            pl.BlockSpec((BB, NV, ED), lambda i: (i, 0, 0)),
            pl.BlockSpec((ED, DD), lambda i: (0, 0)),
            pl.BlockSpec((1, DD), lambda i: (0, 0)),
            pl.BlockSpec((BB, 1, NV), lambda i: (i, 0, 0)),
            pl.BlockSpec((BB, NV, 1), lambda i: (i, 0, 0)),
            pl.BlockSpec((NP2, DD), lambda i: (0, 0)),
            pl.BlockSpec((NP2, DD), lambda i: (0, 0)),
        ],
        out_specs=[
            pl.BlockSpec((BB, NV, DD), lambda i: (i, 0, 0)),
            pl.BlockSpec((BB, 1, NV), lambda i: (i, 0, 0)),
        ],
        out_shape=[
            jax.ShapeDtypeStruct((B, NV, DD), jnp.float32),
            jax.ShapeDtypeStruct((B, 1, NV), jnp.int32),
        ],
        compiler_params=pltpu.CompilerParams(
            dimension_semantics=("arbitrary",)),
    )(x, wt, b2, ids3, idc3, p2, vw2)

    info = plsc.get_sparse_core_info()
    nw = info.num_cores * info.num_subcores
    rows = B * NV
    rpw = rows // nw
    ch = 96
    nch = rpw // ch

    mesh = plsc.VectorSubcoreMesh(core_axis_name="c", subcore_axis_name="s")

    sc_fill = functools.partial(
        pl.kernel,
        out_type=jax.ShapeDtypeStruct((B * NP2, DD), jnp.float32),
        mesh=mesh,
        scratch_types=[
            pltpu.VMEM_SHARED((NP2, DD), jnp.float32),
            pltpu.SemaphoreType.DMA,
        ],
    )(functools.partial(_sc_fill_body, NP2))

    sc_scatter = functools.partial(
        pl.kernel,
        out_type=(),
        mesh=mesh,
        scratch_types=[
            pltpu.VMEM((nch, ch), jnp.int32),
            pltpu.VMEM((ch, DD), jnp.float32),
            pltpu.VMEM((ch, DD), jnp.float32),
            pltpu.SemaphoreType.DMA,
            pltpu.SemaphoreType.DMA,
            pltpu.SemaphoreType.DMA,
            pltpu.SemaphoreType.DMA,
        ],
    )(functools.partial(_sc_scatter_body, rpw, ch))

    out_fill = sc_fill(base)
    out_ref = jax.new_ref(out_fill)
    sc_scatter(v.reshape(rows, DD), gid.reshape(nw, nch, ch), out_ref)
    return jax.freeze(out_ref).reshape(B, NP2, DD)

# --- scband reference (transcript-rebuilt; emitter-appended) ---
"""Pipeline reference for scband-prepare-decoder-input-36618891166232 (READ-ONLY COPY).

The authoritative reference and input builder live on the scoring server;
editing this copy changes nothing except your own understanding.
"""

import jax, jax.numpy as jnp
import numpy as np

B = 64
TP = 576
NP2 = 2 * TP  # 1152
NV = 288
ED = 768
DD = 384


def setup_inputs(seed: int = 0) -> dict:
    key = jax.random.key(seed)
    k1, k2, k3, k4, k5, k6 = jax.random.split(key, 6)
    x = jax.random.normal(k1, (B, NV, ED), dtype=jnp.float32)
    # unique, sorted visible ids per row (index_copy requires unique indices)
    perm = jnp.argsort(jax.random.uniform(k2, (B, NP2)), axis=1)
    visible_ids = jnp.sort(perm[:, :NV], axis=1).astype(jnp.int32)
    W = jax.random.normal(k3, (DD, ED), dtype=jnp.float32) * (1.0 / np.sqrt(ED))
    b = jnp.zeros((DD,), dtype=jnp.float32)
    mask_tokens = jax.random.normal(k4, (1, NP2, DD), dtype=jnp.float32)
    pos_embeds = jax.random.normal(k5, (1, NP2, DD), dtype=jnp.float32)
    view_embeds = jax.random.normal(k6, (1, NP2, DD), dtype=jnp.float32)
    return {
        "x": x,
        "visible_ids": visible_ids,
        "W": W,
        "b": b,
        "mask_tokens": mask_tokens,
        "pos_embeds": pos_embeds,
        "view_embeds": view_embeds,
    }


def reference(x, visible_ids, W, b, mask_tokens, pos_embeds, view_embeds):
    # change_dim: torch Linear -> x @ W.T + b
    xd = jnp.einsum("bie,oe->bio", x, W) + b
    # expand mask tokens to batch and scatter-overwrite visible positions
    tokens = jnp.broadcast_to(mask_tokens, (x.shape[0], NP2, DD))

    def _scatter_row(t, ids, v):
        return t.at[ids].set(v)

    x_full = jax.vmap(_scatter_row)(tokens, visible_ids, xd)
    x_full = x_full + pos_embeds + view_embeds
    return x_full

if __name__ == "__main__":
    import jax
    _d = setup_inputs()
    print(jax.jit(kernel)(*tuple(_d.values())))

</pallas_src>

<mosaic_0001>
#map = affine_map<(d0, d1) -> (0, 0)>
#map1 = affine_map<(d0, d1) -> (0, 0, 0)>
module attributes {stable_mosaic.version = 14 : i64} {
  func.func @new_body(%arg0: i32, %arg1: i32, %arg2: memref<18432x384xf32, #tpu.memory_space<hbm>>, %arg3: memref<32x6x96xi32, #tpu.memory_space<hbm>>, %arg4: memref<73728x384xf32, #tpu.memory_space<hbm>>, %arg5: memref<73728x384xf32, #tpu.memory_space<hbm>>, %arg6: memref<6x96xi32, #tpu.memory_space<vmem>>, %arg7: memref<96x384xf32, #tpu.memory_space<vmem>>, %arg8: memref<96x384xf32, #tpu.memory_space<vmem>>, %arg9: memref<!tpu.dma_semaphore, #tpu.memory_space<semaphore_mem>>, %arg10: memref<!tpu.dma_semaphore, #tpu.memory_space<semaphore_mem>>, %arg11: memref<!tpu.dma_semaphore, #tpu.memory_space<semaphore_mem>>, %arg12: memref<!tpu.dma_semaphore, #tpu.memory_space<semaphore_mem>>) attributes {dimension_semantics = [#tpu.dimension_semantics<core_parallel>, #tpu.dimension_semantics<subcore_parallel>], iteration_bounds = array<i64: 2, 16>, scalar_prefetch = 0 : i64, scratch_operands = 7 : i64, tpu.core_type = #tpu.core_type<sc_vector_subcore>, window_params = [{transform_indices = #map}, {transform_indices = #map1}, {transform_indices = #map}, {transform_indices = #map}]} {
    %mul3A = arith.constant 2 : i32
    %mul3A_0 = arith.muli %arg1, %mul3A : i32
    %add3A = arith.addi %mul3A_0, %arg0 : i32
    %mul3A_1 = arith.constant 576 : i32
    %mul3A_2 = arith.muli %add3A, %mul3A_1 : i32
    "tpu.region"() ({
      %run_scoped3A = tpu.sem_alloc : memref<!tpu.dma_semaphore, #tpu.memory_space<semaphore_mem>>
      %dma_start3A_143 = arith.constant 0 : i32
      %dma_start3A_144 = arith.constant 0 : i32
      %dma_start3A_145 = tpu.memref_slice %arg3[%add3A, %dma_start3A_143, %dma_start3A_144] : memref<32x6x96xi32, #tpu.memory_space<hbm>> -> memref<1x6x96xi32, #tpu.memory_space<hbm>>
      %dma_start3A_146 = tpu.memref_squeeze %dma_start3A_145 : memref<1x6x96xi32, #tpu.memory_space<hbm>> -> memref<6x96xi32, #tpu.memory_space<hbm>>
      %dma_start3A_147 = arith.constant 0 : i32
      %dma_start3A_148 = arith.constant 0 : i32
      %dma_start3A_149 = tpu.memref_slice %arg3[%add3A, %dma_start3A_147, %dma_start3A_148] : memref<32x6x96xi32, #tpu.memory_space<hbm>> -> memref<1x6x96xi32, #tpu.memory_space<hbm>>
      %dma_start3A_150 = tpu.memref_squeeze %dma_start3A_149 : memref<1x6x96xi32, #tpu.memory_space<hbm>> -> memref<6x96xi32, #tpu.memory_space<hbm>>
      tpu.enqueue_dma source(%dma_start3A_150 : memref<6x96xi32, #tpu.memory_space<hbm>>) target(%arg6 : memref<6x96xi32, #tpu.memory_space<vmem>>) target_semaphore(%run_scoped3A : memref<!tpu.dma_semaphore, #tpu.memory_space<semaphore_mem>>)
      %dma_wait3A_151 = arith.constant 0 : i32
      %dma_wait3A_152 = arith.constant 0 : i32
      %dma_wait3A_153 = tpu.memref_slice %arg3[%add3A, %dma_wait3A_151, %dma_wait3A_152] : memref<32x6x96xi32, #tpu.memory_space<hbm>> -> memref<1x6x96xi32, #tpu.memory_space<hbm>>
      %dma_wait3A_154 = tpu.memref_squeeze %dma_wait3A_153 : memref<1x6x96xi32, #tpu.memory_space<hbm>> -> memref<6x96xi32, #tpu.memory_space<hbm>>
      %dma_wait3A_155 = arith.constant 0 : i32
      %dma_wait3A_156 = arith.constant 0 : i32
      %dma_wait3A_157 = tpu.memref_slice %arg3[%add3A, %dma_wait3A_155, %dma_wait3A_156] : memref<32x6x96xi32, #tpu.memory_space<hbm>> -> memref<1x6x96xi32, #tpu.memory_space<hbm>>
      %dma_wait3A_158 = tpu.memref_squeeze %dma_wait3A_157 : memref<1x6x96xi32, #tpu.memory_space<hbm>> -> memref<6x96xi32, #tpu.memory_space<hbm>>
      tpu.wait_dma2 semaphore(%run_scoped3A : memref<!tpu.dma_semaphore, #tpu.memory_space<semaphore_mem>>) src(%dma_wait3A_158 : memref<6x96xi32, #tpu.memory_space<hbm>>) dst(%arg6 : memref<6x96xi32, #tpu.memory_space<vmem>>)
      tpu.yield
    }) : () -> ()
    %dma_start3A = arith.constant 0 : i32
    %dma_start3A_3 = tpu.memref_slice %arg2[%mul3A_2, %dma_start3A] : memref<18432x384xf32, #tpu.memory_space<hbm>> -> memref<96x384xf32, #tpu.memory_space<hbm>>
    %dma_start3A_4 = arith.constant 0 : i32
    %dma_start3A_5 = tpu.memref_slice %arg2[%mul3A_2, %dma_start3A_4] : memref<18432x384xf32, #tpu.memory_space<hbm>> -> memref<96x384xf32, #tpu.memory_space<hbm>>
    tpu.enqueue_dma source(%dma_start3A_5 : memref<96x384xf32, #tpu.memory_space<hbm>>) target(%arg7 : memref<96x384xf32, #tpu.memory_space<vmem>>) target_semaphore(%arg9 : memref<!tpu.dma_semaphore, #tpu.memory_space<semaphore_mem>>)
    %add3A_6 = arith.constant 96 : i32
    %add3A_7 = arith.addi %mul3A_2, %add3A_6 : i32
    %dma_start3A_8 = arith.constant 0 : i32
    %dma_start3A_9 = tpu.memref_slice %arg2[%add3A_7, %dma_start3A_8] : memref<18432x384xf32, #tpu.memory_space<hbm>> -> memref<96x384xf32, #tpu.memory_space<hbm>>
    %dma_start3A_10 = arith.constant 0 : i32
    %dma_start3A_11 = tpu.memref_slice %arg2[%add3A_7, %dma_start3A_10] : memref<18432x384xf32, #tpu.memory_space<hbm>> -> memref<96x384xf32, #tpu.memory_space<hbm>>
    tpu.enqueue_dma source(%dma_start3A_11 : memref<96x384xf32, #tpu.memory_space<hbm>>) target(%arg8 : memref<96x384xf32, #tpu.memory_space<vmem>>) target_semaphore(%arg10 : memref<!tpu.dma_semaphore, #tpu.memory_space<semaphore_mem>>)
    %dma_wait3A = arith.constant 0 : i32
    %dma_wait3A_12 = tpu.memref_slice %arg2[%mul3A_2, %dma_wait3A] : memref<18432x384xf32, #tpu.memory_space<hbm>> -> memref<96x384xf32, #tpu.memory_space<hbm>>
    %dma_wait3A_13 = arith.constant 0 : i32
    %dma_wait3A_14 = tpu.memref_slice %arg2[%mul3A_2, %dma_wait3A_13] : memref<18432x384xf32, #tpu.memory_space<hbm>> -> memref<96x384xf32, #tpu.memory_space<hbm>>
    tpu.wait_dma2 semaphore(%arg9 : memref<!tpu.dma_semaphore, #tpu.memory_space<semaphore_mem>>) src(%dma_wait3A_14 : memref<96x384xf32, #tpu.memory_space<hbm>>) dst(%arg7 : memref<96x384xf32, #tpu.memory_space<vmem>>)
    %dma_start3A_15 = arith.constant 0 : i32
    %dma_start3A_16 = arith.constant 0 : i32
    %dma_start3A_17 = tpu.memref_slice %arg6[%dma_start3A_15, %dma_start3A_16] : memref<6x96xi32, #tpu.memory_space<vmem>> -> memref<1x96xi32, #tpu.memory_space<vmem>>
    %dma_start3A_18 = tpu.memref_squeeze %dma_start3A_17 : memref<1x96xi32, #tpu.memory_space<vmem>> -> memref<96xi32, #tpu.memory_space<vmem>>
    %dma_start3A_19 = arith.constant 0 : i32
    %dma_start3A_20 = arith.constant 0 : i32
    %dma_start3A_21 = tpu.memref_slice %arg4[%dma_start3A_19, %dma_start3A_20] : memref<73728x384xf32, #tpu.memory_space<hbm>> -> memref<73728x384xf32, #tpu.memory_space<hbm>>
    tpu.enqueue_indirect_dma source(%arg7 : memref<96x384xf32, #tpu.memory_space<vmem>>) target(%dma_start3A_21 : memref<73728x384xf32, #tpu.memory_space<hbm>>) offsets(%dma_start3A_18 : memref<96xi32, #tpu.memory_space<vmem>>) semaphore(%arg11 : memref<!tpu.dma_semaphore, #tpu.memory_space<semaphore_mem>>)
    %dma_wait3A_22 = arith.constant 0 : i32
    %dma_wait3A_23 = arith.constant 0 : i32
    %dma_wait3A_24 = tpu.memref_slice %arg6[%dma_wait3A_22, %dma_wait3A_23] : memref<6x96xi32, #tpu.memory_space<vmem>> -> memref<1x96xi32, #tpu.memory_space<vmem>>
    %dma_wait3A_25 = tpu.memref_squeeze %dma_wait3A_24 : memref<1x96xi32, #tpu.memory_space<vmem>> -> memref<96xi32, #tpu.memory_space<vmem>>
    %dma_wait3A_26 = arith.constant 0 : i32
    %dma_wait3A_27 = arith.constant 0 : i32
    %dma_wait3A_28 = tpu.memref_slice %arg4[%dma_wait3A_26, %dma_wait3A_27] : memref<73728x384xf32, #tpu.memory_space<hbm>> -> memref<73728x384xf32, #tpu.memory_space<hbm>>
    tpu.wait_indirect_dma semaphore(%arg11 : memref<!tpu.dma_semaphore, #tpu.memory_space<semaphore_mem>>) src(%arg7 : memref<96x384xf32, #tpu.memory_space<vmem>>) dst(%dma_wait3A_28 : memref<73728x384xf32, #tpu.memory_space<hbm>>)
    %add3A_29 = arith.constant 192 : i32
    %add3A_30 = arith.addi %mul3A_2, %add3A_29 : i32
    %dma_start3A_31 = arith.constant 0 : i32
    %dma_start3A_32 = tpu.memref_slice %arg2[%add3A_30, %dma_start3A_31] : memref<18432x384xf32, #tpu.memory_space<hbm>> -> memref<96x384xf32, #tpu.memory_space<hbm>>
    %dma_start3A_33 = arith.constant 0 : i32
    %dma_start3A_34 = tpu.memref_slice %arg2[%add3A_30, %dma_start3A_33] : memref<18432x384xf32, #tpu.memory_space<hbm>> -> memref<96x384xf32, #tpu.memory_space<hbm>>
    tpu.enqueue_dma source(%dma_start3A_34 : memref<96x384xf32, #tpu.memory_space<hbm>>) target(%arg7 : memref<96x384xf32, #tpu.memory_space<vmem>>) target_semaphore(%arg9 : memref<!tpu.dma_semaphore, #tpu.memory_space<semaphore_mem>>)
    %dma_wait3A_35 = arith.constant 0 : i32
    %dma_wait3A_36 = tpu.memref_slice %arg2[%add3A_7, %dma_wait3A_35] : memref<18432x384xf32, #tpu.memory_space<hbm>> -> memref<96x384xf32, #tpu.memory_space<hbm>>
    %dma_wait3A_37 = arith.constant 0 : i32
    %dma_wait3A_38 = tpu.memref_slice %arg2[%add3A_7, %dma_wait3A_37] : memref<18432x384xf32, #tpu.memory_space<hbm>> -> memref<96x384xf32, #tpu.memory_space<hbm>>
    tpu.wait_dma2 semaphore(%arg10 : memref<!tpu.dma_semaphore, #tpu.memory_space<semaphore_mem>>) src(%dma_wait3A_38 : memref<96x384xf32, #tpu.memory_space<hbm>>) dst(%arg8 : memref<96x384xf32, #tpu.memory_space<vmem>>)
    %dma_start3A_39 = arith.constant 1 : i32
    %dma_start3A_40 = arith.constant 0 : i32
    %dma_start3A_41 = tpu.memref_slice %arg6[%dma_start3A_39, %dma_start3A_40] : memref<6x96xi32, #tpu.memory_space<vmem>> -> memref<1x96xi32, #tpu.memory_space<vmem>>
    %dma_start3A_42 = tpu.memref_squeeze %dma_start3A_41 : memref<1x96xi32, #tpu.memory_space<vmem>> -> memref<96xi32, #tpu.memory_space<vmem>>
    %dma_start3A_43 = arith.constant 0 : i32
    %dma_start3A_44 = arith.constant 0 : i32
    %dma_start3A_45 = tpu.memref_slice %arg4[%dma_start3A_43, %dma_start3A_44] : memref<73728x384xf32, #tpu.memory_space<hbm>> -> memref<73728x384xf32, #tpu.memory_space<hbm>>
    tpu.enqueue_indirect_dma source(%arg8 : memref<96x384xf32, #tpu.memory_space<vmem>>) target(%dma_start3A_45 : memref<73728x384xf32, #tpu.memory_space<hbm>>) offsets(%dma_start3A_42 : memref<96xi32, #tpu.memory_space<vmem>>) semaphore(%arg12 : memref<!tpu.dma_semaphore, #tpu.memory_space<semaphore_mem>>)
    %dma_wait3A_46 = arith.constant 1 : i32
    %dma_wait3A_47 = arith.constant 0 : i32
    %dma_wait3A_48 = tpu.memref_slice %arg6[%dma_wait3A_46, %dma_wait3A_47] : memref<6x96xi32, #tpu.memory_space<vmem>> -> memref<1x96xi32, #tpu.memory_space<vmem>>
    %dma_wait3A_49 = tpu.memref_squeeze %dma_wait3A_48 : memref<1x96xi32, #tpu.memory_space<vmem>> -> memref<96xi32, #tpu.memory_space<vmem>>
    %dma_wait3A_50 = arith.constant 0 : i32
    %dma_wait3A_51 = arith.constant 0 : i32
    %dma_wait3A_52 = tpu.memref_slice %arg4[%dma_wait3A_50, %dma_wait3A_51] : memref<73728x384xf32, #tpu.memory_space<hbm>> -> memref<73728x384xf32, #tpu.memory_space<hbm>>
    tpu.wait_indirect_dma semaphore(%arg12 : memref<!tpu.dma_semaphore, #tpu.memory_space<semaphore_mem>>) src(%arg8 : memref<96x384xf32, #tpu.memory_space<vmem>>) dst(%dma_wait3A_52 : memref<73728x384xf32, #tpu.memory_space<hbm>>)
    %add3A_53 = arith.constant 288 : i32
    %add3A_54 = arith.addi %mul3A_2, %add3A_53 : i32
    %dma_start3A_55 = arith.constant 0 : i32
    %dma_start3A_56 = tpu.memref_slice %arg2[%add3A_54, %dma_start3A_55] : memref<18432x384xf32, #tpu.memory_space<hbm>> -> memref<96x384xf32, #tpu.memory_space<hbm>>
    %dma_start3A_57 = arith.constant 0 : i32
    %dma_start3A_58 = tpu.memref_slice %arg2[%add3A_54, %dma_start3A_57] : memref<18432x384xf32, #tpu.memory_space<hbm>> -> memref<96x384xf32, #tpu.memory_space<hbm>>
    tpu.enqueue_dma source(%dma_start3A_58 : memref<96x384xf32, #tpu.memory_space<hbm>>) target(%arg8 : memref<96x384xf32, #tpu.memory_space<vmem>>) target_semaphore(%arg10 : memref<!tpu.dma_semaphore, #tpu.memory_space<semaphore_mem>>)
    %dma_wait3A_59 = arith.constant 0 : i32
    %dma_wait3A_60 = tpu.memref_slice %arg2[%add3A_30, %dma_wait3A_59] : memref<18432x384xf32, #tpu.memory_space<hbm>> -> memref<96x384xf32, #tpu.memory_space<hbm>>
    %dma_wait3A_61 = arith.constant 0 : i32
    %dma_wait3A_62 = tpu.memref_slice %arg2[%add3A_30, %dma_wait3A_61] : memref<18432x384xf32, #tpu.memory_space<hbm>> -> memref<96x384xf32, #tpu.memory_space<hbm>>
    tpu.wait_dma2 semaphore(%arg9 : memref<!tpu.dma_semaphore, #tpu.memory_space<semaphore_mem>>) src(%dma_wait3A_62 : memref<96x384xf32, #tpu.memory_space<hbm>>) dst(%arg7 : memref<96x384xf32, #tpu.memory_space<vmem>>)
    %dma_start3A_63 = arith.constant 2 : i32
    %dma_start3A_64 = arith.constant 0 : i32
    %dma_start3A_65 = tpu.memref_slice %arg6[%dma_start3A_63, %dma_start3A_64] : memref<6x96xi32, #tpu.memory_space<vmem>> -> memref<1x96xi32, #tpu.memory_space<vmem>>
    %dma_start3A_66 = tpu.memref_squeeze %dma_start3A_65 : memref<1x96xi32, #tpu.memory_space<vmem>> -> memref<96xi32, #tpu.memory_space<vmem>>
    %dma_start3A_67 = arith.constant 0 : i32
    %dma_start3A_68 = arith.constant 0 : i32
    %dma_start3A_69 = tpu.memref_slice %arg4[%dma_start3A_67, %dma_start3A_68] : memref<73728x384xf32, #tpu.memory_space<hbm>> -> memref<73728x384xf32, #tpu.memory_space<hbm>>
    tpu.enqueue_indirect_dma source(%arg7 : memref<96x384xf32, #tpu.memory_space<vmem>>) target(%dma_start3A_69 : memref<73728x384xf32, #tpu.memory_space<hbm>>) offsets(%dma_start3A_66 : memref<96xi32, #tpu.memory_space<vmem>>) semaphore(%arg11 : memref<!tpu.dma_semaphore, #tpu.memory_space<semaphore_mem>>)
    %dma_wait3A_70 = arith.constant 2 : i32
    %dma_wait3A_71 = arith.constant 0 : i32
    %dma_wait3A_72 = tpu.memref_slice %arg6[%dma_wait3A_70, %dma_wait3A_71] : memref<6x96xi32, #tpu.memory_space<vmem>> -> memref<1x96xi32, #tpu.memory_space<vmem>>
    %dma_wait3A_73 = tpu.memref_squeeze %dma_wait3A_72 : memref<1x96xi32, #tpu.memory_space<vmem>> -> memref<96xi32, #tpu.memory_space<vmem>>
    %dma_wait3A_74 = arith.constant 0 : i32
    %dma_wait3A_75 = arith.constant 0 : i32
    %dma_wait3A_76 = tpu.memref_slice %arg4[%dma_wait3A_74, %dma_wait3A_75] : memref<73728x384xf32, #tpu.memory_space<hbm>> -> memref<73728x384xf32, #tpu.memory_space<hbm>>
    tpu.wait_indirect_dma semaphore(%arg11 : memref<!tpu.dma_semaphore, #tpu.memory_space<semaphore_mem>>) src(%arg7 : memref<96x384xf32, #tpu.memory_space<vmem>>) dst(%dma_wait3A_76 : memref<73728x384xf32, #tpu.memory_space<hbm>>)
    %add3A_77 = arith.constant 384 : i32
    %add3A_78 = arith.addi %mul3A_2, %add3A_77 : i32
    %dma_start3A_79 = arith.constant 0 : i32
    %dma_start3A_80 = tpu.memref_slice %arg2[%add3A_78, %dma_start3A_79] : memref<18432x384xf32, #tpu.memory_space<hbm>> -> memref<96x384xf32, #tpu.memory_space<hbm>>
    %dma_start3A_81 = arith.constant 0 : i32
    %dma_start3A_82 = tpu.memref_slice %arg2[%add3A_78, %dma_start3A_81] : memref<18432x384xf32, #tpu.memory_space<hbm>> -> memref<96x384xf32, #tpu.memory_space<hbm>>
    tpu.enqueue_dma source(%dma_start3A_82 : memref<96x384xf32, #tpu.memory_space<hbm>>) target(%arg7 : memref<96x384xf32, #tpu.memory_space<vmem>>) target_semaphore(%arg9 : memref<!tpu.dma_semaphore, #tpu.memory_space<semaphore_mem>>)
    %dma_wait3A_83 = arith.constant 0 : i32
    %dma_wait3A_84 = tpu.memref_slice %arg2[%add3A_54, %dma_wait3A_83] : memref<18432x384xf32, #tpu.memory_space<hbm>> -> memref<96x384xf32, #tpu.memory_space<hbm>>
    %dma_wait3A_85 = arith.constant 0 : i32
    %dma_wait3A_86 = tpu.memref_slice %arg2[%add3A_54, %dma_wait3A_85] : memref<18432x384xf32, #tpu.memory_space<hbm>> -> memref<96x384xf32, #tpu.memory_space<hbm>>
    tpu.wait_dma2 semaphore(%arg10 : memref<!tpu.dma_semaphore, #tpu.memory_space<semaphore_mem>>) src(%dma_wait3A_86 : memref<96x384xf32, #tpu.memory_space<hbm>>) dst(%arg8 : memref<96x384xf32, #tpu.memory_space<vmem>>)
    %dma_start3A_87 = arith.constant 3 : i32
    %dma_start3A_88 = arith.constant 0 : i32
    %dma_start3A_89 = tpu.memref_slice %arg6[%dma_start3A_87, %dma_start3A_88] : memref<6x96xi32, #tpu.memory_space<vmem>> -> memref<1x96xi32, #tpu.memory_space<vmem>>
    %dma_start3A_90 = tpu.memref_squeeze %dma_start3A_89 : memref<1x96xi32, #tpu.memory_space<vmem>> -> memref<96xi32, #tpu.memory_space<vmem>>
    %dma_start3A_91 = arith.constant 0 : i32
    %dma_start3A_92 = arith.constant 0 : i32
    %dma_start3A_93 = tpu.memref_slice %arg4[%dma_start3A_91, %dma_start3A_92] : memref<73728x384xf32, #tpu.memory_space<hbm>> -> memref<73728x384xf32, #tpu.memory_space<hbm>>
    tpu.enqueue_indirect_dma source(%arg8 : memref<96x384xf32, #tpu.memory_space<vmem>>) target(%dma_start3A_93 : memref<73728x384xf32, #tpu.memory_space<hbm>>) offsets(%dma_start3A_90 : memref<96xi32, #tpu.memory_space<vmem>>) semaphore(%arg12 : memref<!tpu.dma_semaphore, #tpu.memory_space<semaphore_mem>>)
    %dma_wait3A_94 = arith.constant 3 : i32
    %dma_wait3A_95 = arith.constant 0 : i32
    %dma_wait3A_96 = tpu.memref_slice %arg6[%dma_wait3A_94, %dma_wait3A_95] : memref<6x96xi32, #tpu.memory_space<vmem>> -> memref<1x96xi32, #tpu.memory_space<vmem>>
    %dma_wait3A_97 = tpu.memref_squeeze %dma_wait3A_96 : memref<1x96xi32, #tpu.memory_space<vmem>> -> memref<96xi32, #tpu.memory_space<vmem>>
    %dma_wait3A_98 = arith.constant 0 : i32
    %dma_wait3A_99 = arith.constant 0 : i32
    %dma_wait3A_100 = tpu.memref_slice %arg4[%dma_wait3A_98, %dma_wait3A_99] : memref<73728x384xf32, #tpu.memory_space<hbm>> -> memref<73728x384xf32, #tpu.memory_space<hbm>>
    tpu.wait_indirect_dma semaphore(%arg12 : memref<!tpu.dma_semaphore, #tpu.memory_space<semaphore_mem>>) src(%arg8 : memref<96x384xf32, #tpu.memory_space<vmem>>) dst(%dma_wait3A_100 : memref<73728x384xf32, #tpu.memory_space<hbm>>)
    %add3A_101 = arith.constant 480 : i32
    %add3A_102 = arith.addi %mul3A_2, %add3A_101 : i32
    %dma_start3A_103 = arith.constant 0 : i32
    %dma_start3A_104 = tpu.memref_slice %arg2[%add3A_102, %dma_start3A_103] : memref<18432x384xf32, #tpu.memory_space<hbm>> -> memref<96x384xf32, #tpu.memory_space<hbm>>
    %dma_start3A_105 = arith.constant 0 : i32
    %dma_start3A_106 = tpu.memref_slice %arg2[%add3A_102, %dma_start3A_105] : memref<18432x384xf32, #tpu.memory_space<hbm>> -> memref<96x384xf32, #tpu.memory_space<hbm>>
    tpu.enqueue_dma source(%dma_start3A_106 : memref<96x384xf32, #tpu.memory_space<hbm>>) target(%arg8 : memref<96x384xf32, #tpu.memory_space<vmem>>) target_semaphore(%arg10 : memref<!tpu.dma_semaphore, #tpu.memory_space<semaphore_mem>>)
    %dma_wait3A_107 = arith.constant 0 : i32
    %dma_wait3A_108 = tpu.memref_slice %arg2[%add3A_78, %dma_wait3A_107] : memref<18432x384xf32, #tpu.memory_space<hbm>> -> memref<96x384xf32, #tpu.memory_space<hbm>>
    %dma_wait3A_109 = arith.constant 0 : i32
    %dma_wait3A_110 = tpu.memref_slice %arg2[%add3A_78, %dma_wait3A_109] : memref<18432x384xf32, #tpu.memory_space<hbm>> -> memref<96x384xf32, #tpu.memory_space<hbm>>
    tpu.wait_dma2 semaphore(%arg9 : memref<!tpu.dma_semaphore, #tpu.memory_space<semaphore_mem>>) src(%dma_wait3A_110 : memref<96x384xf32, #tpu.memory_space<hbm>>) dst(%arg7 : memref<96x384xf32, #tpu.memory_space<vmem>>)
    %dma_start3A_111 = arith.constant 4 : i32
    %dma_start3A_112 = arith.constant 0 : i32
    %dma_start3A_113 = tpu.memref_slice %arg6[%dma_start3A_111, %dma_start3A_112] : memref<6x96xi32, #tpu.memory_space<vmem>> -> memref<1x96xi32, #tpu.memory_space<vmem>>
    %dma_start3A_114 = tpu.memref_squeeze %dma_start3A_113 : memref<1x96xi32, #tpu.memory_space<vmem>> -> memref<96xi32, #tpu.memory_space<vmem>>
    %dma_start3A_115 = arith.constant 0 : i32
    %dma_start3A_116 = arith.constant 0 : i32
    %dma_start3A_117 = tpu.memref_slice %arg4[%dma_start3A_115, %dma_start3A_116] : memref<73728x384xf32, #tpu.memory_space<hbm>> -> memref<73728x384xf32, #tpu.memory_space<hbm>>
    tpu.enqueue_indirect_dma source(%arg7 : memref<96x384xf32, #tpu.memory_space<vmem>>) target(%dma_start3A_117 : memref<73728x384xf32, #tpu.memory_space<hbm>>) offsets(%dma_start3A_114 : memref<96xi32, #tpu.memory_space<vmem>>) semaphore(%arg11 : memref<!tpu.dma_semaphore, #tpu.memory_space<semaphore_mem>>)
    %dma_wait3A_118 = arith.constant 0 : i32
    %dma_wait3A_119 = tpu.memref_slice %arg2[%add3A_102, %dma_wait3A_118] : memref<18432x384xf32, #tpu.memory_space<hbm>> -> memref<96x384xf32, #tpu.memory_space<hbm>>
    %dma_wait3A_120 = arith.constant 0 : i32
    %dma_wait3A_121 = tpu.memref_slice %arg2[%add3A_102, %dma_wait3A_120] : memref<18432x384xf32, #tpu.memory_space<hbm>> -> memref<96x384xf32, #tpu.memory_space<hbm>>
    tpu.wait_dma2 semaphore(%arg10 : memref<!tpu.dma_semaphore, #tpu.memory_space<semaphore_mem>>) src(%dma_wait3A_121 : memref<96x384xf32, #tpu.memory_space<hbm>>) dst(%arg8 : memref<96x384xf32, #tpu.memory_space<vmem>>)
    %dma_start3A_122 = arith.constant 5 : i32
    %dma_start3A_123 = arith.constant 0 : i32
    %dma_start3A_124 = tpu.memref_slice %arg6[%dma_start3A_122, %dma_start3A_123] : memref<6x96xi32, #tpu.memory_space<vmem>> -> memref<1x96xi32, #tpu.memory_space<vmem>>
    %dma_start3A_125 = tpu.memref_squeeze %dma_start3A_124 : memref<1x96xi32, #tpu.memory_space<vmem>> -> memref<96xi32, #tpu.memory_space<vmem>>
    %dma_start3A_126 = arith.constant 0 : i32
    %dma_start3A_127 = arith.constant 0 : i32
    %dma_start3A_128 = tpu.memref_slice %arg4[%dma_start3A_126, %dma_start3A_127] : memref<73728x384xf32, #tpu.memory_space<hbm>> -> memref<73728x384xf32, #tpu.memory_space<hbm>>
    tpu.enqueue_indirect_dma source(%arg8 : memref<96x384xf32, #tpu.memory_space<vmem>>) target(%dma_start3A_128 : memref<73728x384xf32, #tpu.memory_space<hbm>>) offsets(%dma_start3A_125 : memref<96xi32, #tpu.memory_space<vmem>>) semaphore(%arg12 : memref<!tpu.dma_semaphore, #tpu.memory_space<semaphore_mem>>)
    %dma_wait3A_129 = arith.constant 4 : i32
    %dma_wait3A_130 = arith.constant 0 : i32
    %dma_wait3A_131 = tpu.memref_slice %arg6[%dma_wait3A_129, %dma_wait3A_130] : memref<6x96xi32, #tpu.memory_space<vmem>> -> memref<1x96xi32, #tpu.memory_space<vmem>>
    %dma_wait3A_132 = tpu.memref_squeeze %dma_wait3A_131 : memref<1x96xi32, #tpu.memory_space<vmem>> -> memref<96xi32, #tpu.memory_space<vmem>>
    %dma_wait3A_133 = arith.constant 0 : i32
    %dma_wait3A_134 = arith.constant 0 : i32
    %dma_wait3A_135 = tpu.memref_slice %arg4[%dma_wait3A_133, %dma_wait3A_134] : memref<73728x384xf32, #tpu.memory_space<hbm>> -> memref<73728x384xf32, #tpu.memory_space<hbm>>
    tpu.wait_indirect_dma semaphore(%arg11 : memref<!tpu.dma_semaphore, #tpu.memory_space<semaphore_mem>>) src(%arg7 : memref<96x384xf32, #tpu.memory_space<vmem>>) dst(%dma_wait3A_135 : memref<73728x384xf32, #tpu.memory_space<hbm>>)
    %dma_wait3A_136 = arith.constant 5 : i32
    %dma_wait3A_137 = arith.constant 0 : i32
    %dma_wait3A_138 = tpu.memref_slice %arg6[%dma_wait3A_136, %dma_wait3A_137] : memref<6x96xi32, #tpu.memory_space<vmem>> -> memref<1x96xi32, #tpu.memory_space<vmem>>
    %dma_wait3A_139 = tpu.memref_squeeze %dma_wait3A_138 : memref<1x96xi32, #tpu.memory_space<vmem>> -> memref<96xi32, #tpu.memory_space<vmem>>
    %dma_wait3A_140 = arith.constant 0 : i32
    %dma_wait3A_141 = arith.constant 0 : i32
    %dma_wait3A_142 = tpu.memref_slice %arg4[%dma_wait3A_140, %dma_wait3A_141] : memref<73728x384xf32, #tpu.memory_space<hbm>> -> memref<73728x384xf32, #tpu.memory_space<hbm>>
    tpu.wait_indirect_dma semaphore(%arg12 : memref<!tpu.dma_semaphore, #tpu.memory_space<semaphore_mem>>) src(%arg8 : memref<96x384xf32, #tpu.memory_space<vmem>>) dst(%dma_wait3A_142 : memref<73728x384xf32, #tpu.memory_space<hbm>>)
    return
  }
}

#map = affine_map<(d0, d1) -> (0, 0)>
module attributes {stable_mosaic.version = 14 : i64} {
  func.func @_sc_fill_body(%arg0: i32, %arg1: i32, %arg2: memref<1152x384xf32, #tpu.memory_space<hbm>>, %arg3: memref<73728x384xf32, #tpu.memory_space<hbm>>, %arg4: memref<1152x384xf32, #tpu.memory_space<vmem_shared>>, %arg5: memref<!tpu.dma_semaphore, #tpu.memory_space<semaphore_mem>>) attributes {dimension_semantics = [#tpu.dimension_semantics<core_parallel>, #tpu.dimension_semantics<subcore_parallel>], iteration_bounds = array<i64: 2, 16>, scalar_prefetch = 0 : i64, scratch_operands = 2 : i64, tpu.core_type = #tpu.core_type<sc_vector_subcore>, window_params = [{transform_indices = #map}, {transform_indices = #map}]} {
    %mul3A = arith.constant 2 : i32
    %mul3A_0 = arith.muli %arg1, %mul3A : i32
    %add3A = arith.addi %mul3A_0, %arg0 : i32
    %eq3A = arith.constant 0 : i32
    %eq3A_1 = arith.cmpi eq, %arg1, %eq3A : i32
    %convert_element_type3A = arith.extui %eq3A_1 : i1 to i32
    %cond3A = arith.constant 0 : i32
    %cond3A_2 = arith.cmpi ne, %convert_element_type3A, %cond3A : i32
    scf.if %cond3A_2 {
      tpu.enqueue_dma source(%arg2 : memref<1152x384xf32, #tpu.memory_space<hbm>>) target(%arg4 : memref<1152x384xf32, #tpu.memory_space<vmem_shared>>) target_semaphore(%arg5 : memref<!tpu.dma_semaphore, #tpu.memory_space<semaphore_mem>>)
      tpu.wait_dma2 semaphore(%arg5 : memref<!tpu.dma_semaphore, #tpu.memory_space<semaphore_mem>>) src(%arg2 : memref<1152x384xf32, #tpu.memory_space<hbm>>) dst(%arg4 : memref<1152x384xf32, #tpu.memory_space<vmem_shared>>)
    } else {
    }
    %barrier3A = arith.constant 0 : index
    tpu.barrier barrier_id(%barrier3A)
    %mul3A_3 = arith.constant 2 : i32
    %mul3A_4 = arith.muli %mul3A_3, %add3A : i32
    %mul3A_5 = arith.constant 1152 : i32
    %mul3A_6 = arith.muli %mul3A_4, %mul3A_5 : i32
    %dma_start3A = arith.constant 0 : i32
    %dma_start3A_7 = tpu.memref_slice %arg3[%mul3A_6, %dma_start3A] : memref<73728x384xf32, #tpu.memory_space<hbm>> -> memref<1152x384xf32, #tpu.memory_space<hbm>>
    tpu.enqueue_dma source(%arg4 : memref<1152x384xf32, #tpu.memory_space<vmem_shared>>) target(%dma_start3A_7 : memref<1152x384xf32, #tpu.memory_space<hbm>>) target_semaphore(%arg5 : memref<!tpu.dma_semaphore, #tpu.memory_space<semaphore_mem>>)
    %mul3A_8 = arith.constant 2 : i32
    %mul3A_9 = arith.muli %mul3A_8, %add3A : i32
    %add3A_10 = arith.constant 1 : i32
    %add3A_11 = arith.addi %mul3A_9, %add3A_10 : i32
    %mul3A_12 = arith.constant 1152 : i32
    %mul3A_13 = arith.muli %add3A_11, %mul3A_12 : i32
    %dma_start3A_14 = arith.constant 0 : i32
    %dma_start3A_15 = tpu.memref_slice %arg3[%mul3A_13, %dma_start3A_14] : memref<73728x384xf32, #tpu.memory_space<hbm>> -> memref<1152x384xf32, #tpu.memory_space<hbm>>
    tpu.enqueue_dma source(%arg4 : memref<1152x384xf32, #tpu.memory_space<vmem_shared>>) target(%dma_start3A_15 : memref<1152x384xf32, #tpu.memory_space<hbm>>) target_semaphore(%arg5 : memref<!tpu.dma_semaphore, #tpu.memory_space<semaphore_mem>>)
    %dma_wait3A = arith.constant 0 : i32
    %dma_wait3A_16 = tpu.memref_slice %arg3[%mul3A_6, %dma_wait3A] : memref<73728x384xf32, #tpu.memory_space<hbm>> -> memref<1152x384xf32, #tpu.memory_space<hbm>>
    tpu.wait_dma2 semaphore(%arg5 : memref<!tpu.dma_semaphore, #tpu.memory_space<semaphore_mem>>) src(%arg4 : memref<1152x384xf32, #tpu.memory_space<vmem_shared>>) dst(%dma_wait3A_16 : memref<1152x384xf32, #tpu.memory_space<hbm>>)
    %dma_wait3A_17 = arith.constant 0 : i32
    %dma_wait3A_18 = tpu.memref_slice %arg3[%mul3A_13, %dma_wait3A_17] : memref<73728x384xf32, #tpu.memory_space<hbm>> -> memref<1152x384xf32, #tpu.memory_space<hbm>>
    tpu.wait_dma2 semaphore(%arg5 : memref<!tpu.dma_semaphore, #tpu.memory_space<semaphore_mem>>) src(%arg4 : memref<1152x384xf32, #tpu.memory_space<vmem_shared>>) dst(%dma_wait3A_18 : memref<1152x384xf32, #tpu.memory_space<hbm>>)
    return
  }
}

module attributes {stable_mosaic.version = 14 : i64} {
  func.func @_base_body(%arg0: memref<1152x384xf32, #tpu.memory_space<vmem>>, %arg1: memref<1152x384xf32, #tpu.memory_space<vmem>>, %arg2: memref<1152x384xf32, #tpu.memory_space<vmem>>, %arg3: memref<1152x384xf32, #tpu.memory_space<vmem>>) attributes {dimension_semantics = [], scalar_prefetch = 0 : i64, scratch_operands = 0 : i64, tpu.core_type = #tpu.core_type<tc>} {
    %get3A = arith.constant 0 : index
    %get3A_0 = arith.constant 0 : index
    %get3A_1 = vector.load %arg0[%get3A, %get3A_0] : memref<1152x384xf32, #tpu.memory_space<vmem>>, vector<1152x384xf32>
    %get3A_2 = arith.constant 0 : index
    %get3A_3 = arith.constant 0 : index
    %get3A_4 = vector.load %arg1[%get3A_2, %get3A_3] : memref<1152x384xf32, #tpu.memory_space<vmem>>, vector<1152x384xf32>
    %add3A = arith.addf %get3A_1, %get3A_4 : vector<1152x384xf32>
    %get3A_5 = arith.constant 0 : index
    %get3A_6 = arith.constant 0 : index
    %get3A_7 = vector.load %arg2[%get3A_5, %get3A_6] : memref<1152x384xf32, #tpu.memory_space<vmem>>, vector<1152x384xf32>
    %add3A_8 = arith.addf %add3A, %get3A_7 : vector<1152x384xf32>
    %swap3A = arith.constant 0 : index
    %swap3A_9 = arith.constant 0 : index
    %swap3A_10 = vector.load %arg3[%swap3A, %swap3A_9] : memref<1152x384xf32, #tpu.memory_space<vmem>>, vector<1152x384xf32>
    tpu.vector_store %arg3[%swap3A, %swap3A_9], %add3A_8 {strides = array<i32>} : memref<1152x384xf32, #tpu.memory_space<vmem>>, vector<1152x384xf32>,
    return
  }
}

module attributes {stable_mosaic.version = 14 : i64} {
  func.func @_tc_body(%arg0: i32, %arg1: memref<8x288x768xf32, #tpu.memory_space<vmem>>, %arg2: memref<768x384xf32, #tpu.memory_space<vmem>>, %arg3: memref<1x384xf32, #tpu.memory_space<vmem>>, %arg4: memref<8x1x288xi32, #tpu.memory_space<vmem>>, %arg5: memref<8x288x1xi32, #tpu.memory_space<vmem>>, %arg6: memref<1152x384xf32, #tpu.memory_space<vmem>>, %arg7: memref<1152x384xf32, #tpu.memory_space<vmem>>, %arg8: memref<8x288x384xf32, #tpu.memory_space<vmem>>, %arg9: memref<8x1x288xi32, #tpu.memory_space<vmem>>) attributes {dimension_semantics = [#tpu.dimension_semantics<arbitrary>], iteration_bounds = array<i64: 8>, scalar_prefetch = 0 : i64, scratch_operands = 0 : i64, tpu.core_type = #tpu.core_type<tc>, window_params = [{transform_indices = @transform_0, window_bounds = array<i64: 8, 288, 768>}, {pipeline_mode = #tpu.pipeline_mode<synchronous>, transform_indices = @transform_1, window_bounds = array<i64: 768, 384>}, {pipeline_mode = #tpu.pipeline_mode<synchronous>, transform_indices = @transform_2, window_bounds = array<i64: 1, 384>}, {transform_indices = @transform_3, window_bounds = array<i64: 8, 1, 288>}, {transform_indices = @transform_4, window_bounds = array<i64: 8, 288, 1>}, {pipeline_mode = #tpu.pipeline_mode<synchronous>, transform_indices = @transform_5, window_bounds = array<i64: 1152, 384>}, {pipeline_mode = #tpu.pipeline_mode<synchronous>, transform_indices = @transform_6, window_bounds = array<i64: 1152, 384>}, {transform_indices = @transform_7, window_bounds = array<i64: 8, 288, 384>}, {transform_indices = @transform_8, window_bounds = array<i64: 8, 1, 288>}]} {
    %get3A = arith.constant 0 : index
    %get3A_0 = arith.constant 0 : index
    %get3A_1 = vector.load %arg6[%get3A, %get3A_0] : memref<1152x384xf32, #tpu.memory_space<vmem>>, vector<1152x384xf32>
    %get3A_2 = arith.constant 0 : index
    %get3A_3 = arith.constant 0 : index
    %get3A_4 = vector.load %arg7[%get3A_2, %get3A_3] : memref<1152x384xf32, #tpu.memory_space<vmem>>, vector<1152x384xf32>
    %add3A = arith.addf %get3A_1, %get3A_4 : vector<1152x384xf32>
    %get3A_5 = arith.constant 0 : index
    %get3A_6 = arith.constant 0 : index
    %get3A_7 = arith.constant 0 : index
    %get3A_8 = vector.load %arg5[%get3A_5, %get3A_6, %get3A_7] : memref<8x288x1xi32, #tpu.memory_space<vmem>>, vector<8x288x1xi32>
    %reshape3A = vector.shape_cast %get3A_8 : vector<8x288x1xi32> to vector<2304x1xi32>
    %iota3A = tpu.iota {dimensions = array<i32: 1>} : vector<2304x1152xi32>
    %eq3A = vector.broadcast %reshape3A : vector<2304x1xi32> to vector<2304x1152xi32>
    %eq3A_9 = arith.cmpi eq, %eq3A, %iota3A : vector<2304x1152xi32>
    %convert_element_type3A = arith.extui %eq3A_9 : vector<2304x1152xi1> to vector<2304x1152xi32>
    %convert_element_type3A_10 = arith.sitofp %convert_element_type3A : vector<2304x1152xi32> to vector<2304x1152xf32>
    %dot_general3A = arith.constant dense<0.000000e+00> : vector<2304x384xf32>
    %dot_general3A_11 = tpu.matmul %convert_element_type3A_10, %add3A, %dot_general3A {dimension_numbers = #tpu.dot_dimension_numbers<[1], [0], [0], [1], [0, 0, 1, 1], [], []>, transpose_lhs_hint = false} : vector<2304x1152xf32>, vector<1152x384xf32>, vector<2304x384xf32> -> vector<2304x384xf32>
    %get3A_12 = arith.constant 0 : index
    %get3A_13 = arith.constant 0 : index
    %get3A_14 = arith.constant 0 : index
    %get3A_15 = vector.load %arg1[%get3A_12, %get3A_13, %get3A_14] : memref<8x288x768xf32, #tpu.memory_space<vmem>>, vector<8x288x768xf32>
    %reshape3A_16 = vector.shape_cast %get3A_15 : vector<8x288x768xf32> to vector<2304x768xf32>
    %get3A_17 = arith.constant 0 : index
    %get3A_18 = arith.constant 0 : index
    %get3A_19 = vector.load %arg2[%get3A_17, %get3A_18] : memref<768x384xf32, #tpu.memory_space<vmem>>, vector<768x384xf32>
    %dot_general3A_20 = arith.constant dense<0.000000e+00> : vector<2304x384xf32>
    %dot_general3A_21 = tpu.matmul %reshape3A_16, %get3A_19, %dot_general3A_20 {dimension_numbers = #tpu.dot_dimension_numbers<[1], [0], [0], [1], [0, 0, 1, 1], [], []>, transpose_lhs_hint = false} : vector<2304x768xf32>, vector<768x384xf32>, vector<2304x384xf32> -> vector<2304x384xf32>
    %add3A_22 = arith.addf %dot_general3A_21, %dot_general3A_11 : vector<2304x384xf32>
    %get3A_23 = arith.constant 0 : index
    %get3A_24 = arith.constant 0 : index
    %get3A_25 = vector.load %arg3[%get3A_23, %get3A_24] : memref<1x384xf32, #tpu.memory_space<vmem>>, vector<1x384xf32>
    %add3A_26 = vector.broadcast %get3A_25 : vector<1x384xf32> to vector<2304x384xf32>
    %add3A_27 = arith.addf %add3A_22, %add3A_26 : vector<2304x384xf32>
    %reshape3A_28 = vector.shape_cast %add3A_27 : vector<2304x384xf32> to vector<8x288x384xf32>
    %swap3A = arith.constant 0 : index
    %swap3A_29 = arith.constant 0 : index
    %swap3A_30 = arith.constant 0 : index
    %swap3A_31 = vector.load %arg8[%swap3A, %swap3A_29, %swap3A_30] : memref<8x288x384xf32, #tpu.memory_space<vmem>>, vector<8x288x384xf32>
    tpu.vector_store %arg8[%swap3A, %swap3A_29, %swap3A_30], %reshape3A_28 {strides = array<i32>} : memref<8x288x384xf32, #tpu.memory_space<vmem>>, vector<8x288x384xf32>,
    %get3A_32 = arith.constant 0 : index
    %get3A_33 = arith.constant 0 : index
    %get3A_34 = arith.constant 0 : index
    %get3A_35 = vector.load %arg4[%get3A_32, %get3A_33, %get3A_34] : memref<8x1x288xi32, #tpu.memory_space<vmem>>, vector<1x1x288xi32>
    %get3A_36 = vector.shape_cast %get3A_35 : vector<1x1x288xi32> to vector<1x288xi32>
    %mul3A = arith.constant 8 : i32
    %mul3A_37 = arith.muli %arg0, %mul3A : i32
    %add3A_38 = arith.constant 0 : i32
    %add3A_39 = arith.addi %mul3A_37, %add3A_38 : i32
    %mul3A_40 = arith.constant 1152 : i32
    %mul3A_41 = arith.muli %add3A_39, %mul3A_40 : i32
    %add3A_42 = vector.broadcast %mul3A_41 : i32 to vector<1x288xi32>
    %add3A_43 = arith.addi %get3A_36, %add3A_42 : vector<1x288xi32>
    %swap3A_44 = arith.constant 0 : index
    %swap3A_45 = arith.constant 0 : index
    %swap3A_46 = arith.constant 0 : index
    %swap3A_47 = vector.load %arg9[%swap3A_44, %swap3A_45, %swap3A_46] : memref<8x1x288xi32, #tpu.memory_space<vmem>>, vector<1x1x288xi32>
    %swap3A_48 = vector.shape_cast %swap3A_47 : vector<1x1x288xi32> to vector<1x288xi32>
    %swap3A_49 = vector.shape_cast %add3A_43 : vector<1x288xi32> to vector<1x1x288xi32>
    tpu.vector_store %arg9[%swap3A_44, %swap3A_45, %swap3A_46], %swap3A_49 {strides = array<i32>} : memref<8x1x288xi32, #tpu.memory_space<vmem>>, vector<1x1x288xi32>,
    %get3A_50 = arith.constant 1 : index
    %get3A_51 = arith.constant 0 : index
    %get3A_52 = arith.constant 0 : index
    %get3A_53 = vector.load %arg4[%get3A_50, %get3A_51, %get3A_52] : memref<8x1x288xi32, #tpu.memory_space<vmem>>, vector<1x1x288xi32>
    %get3A_54 = vector.shape_cast %get3A_53 : vector<1x1x288xi32> to vector<1x288xi32>
    %mul3A_55 = arith.constant 8 : i32
    %mul3A_56 = arith.muli %arg0, %mul3A_55 : i32
    %add3A_57 = arith.constant 1 : i32
    %add3A_58 = arith.addi %mul3A_56, %add3A_57 : i32
    %mul3A_59 = arith.constant 1152 : i32
    %mul3A_60 = arith.muli %add3A_58, %mul3A_59 : i32
    %add3A_61 = vector.broadcast %mul3A_60 : i32 to vector<1x288xi32>
    %add3A_62 = arith.addi %get3A_54, %add3A_61 : vector<1x288xi32>
    %swap3A_63 = arith.constant 1 : index
    %swap3A_64 = arith.constant 0 : index
    %swap3A_65 = arith.constant 0 : index
    %swap3A_66 = vector.load %arg9[%swap3A_63, %swap3A_64, %swap3A_65] : memref<8x1x288xi32, #tpu.memory_space<vmem>>, vector<1x1x288xi32>
    %swap3A_67 = vector.shape_cast %swap3A_66 : vector<1x1x288xi32> to vector<1x288xi32>
    %swap3A_68 = vector.shape_cast %add3A_62 : vector<1x288xi32> to vector<1x1x288xi32>
    tpu.vector_store %arg9[%swap3A_63, %swap3A_64, %swap3A_65], %swap3A_68 {strides = array<i32>} : memref<8x1x288xi32, #tpu.memory_space<vmem>>, vector<1x1x288xi32>,
    %get3A_69 = arith.constant 2 : index
    %get3A_70 = arith.constant 0 : index
    %get3A_71 = arith.constant 0 : index
    %get3A_72 = vector.load %arg4[%get3A_69, %get3A_70, %get3A_71] : memref<8x1x288xi32, #tpu.memory_space<vmem>>, vector<1x1x288xi32>
    %get3A_73 = vector.shape_cast %get3A_72 : vector<1x1x288xi32> to vector<1x288xi32>
    %mul3A_74 = arith.constant 8 : i32
    %mul3A_75 = arith.muli %arg0, %mul3A_74 : i32
    %add3A_76 = arith.constant 2 : i32
    %add3A_77 = arith.addi %mul3A_75, %add3A_76 : i32
    %mul3A_78 = arith.constant 1152 : i32
    %mul3A_79 = arith.muli %add3A_77, %mul3A_78 : i32
    %add3A_80 = vector.broadcast %mul3A_79 : i32 to vector<1x288xi32>
    %add3A_81 = arith.addi %get3A_73, %add3A_80 : vector<1x288xi32>
    %swap3A_82 = arith.constant 2 : index
    %swap3A_83 = arith.constant 0 : index
    %swap3A_84 = arith.constant 0 : index
    %swap3A_85 = vector.load %arg9[%swap3A_82, %swap3A_83, %swap3A_84] : memref<8x1x288xi32, #tpu.memory_space<vmem>>, vector<1x1x288xi32>
    %swap3A_86 = vector.shape_cast %swap3A_85 : vector<1x1x288xi32> to vector<1x288xi32>
    %swap3A_87 = vector.shape_cast %add3A_81 : vector<1x288xi32> to vector<1x1x288xi32>
    tpu.vector_store %arg9[%swap3A_82, %swap3A_83, %swap3A_84], %swap3A_87 {strides = array<i32>} : memref<8x1x288xi32, #tpu.memory_space<vmem>>, vector<1x1x288xi32>,
    %get3A_88 = arith.constant 3 : index
    %get3A_89 = arith.constant 0 : index
    %get3A_90 = arith.constant 0 : index
    %get3A_91 = vector.load %arg4[%get3A_88, %get3A_89, %get3A_90] : memref<8x1x288xi32, #tpu.memory_space<vmem>>, vector<1x1x288xi32>
    %get3A_92 = vector.shape_cast %get3A_91 : vector<1x1x288xi32> to vector<1x288xi32>
    %mul3A_93 = arith.constant 8 : i32
    %mul3A_94 = arith.muli %arg0, %mul3A_93 : i32
    %add3A_95 = arith.constant 3 : i32
    %add3A_96 = arith.addi %mul3A_94, %add3A_95 : i32
    %mul3A_97 = arith.constant 1152 : i32
    %mul3A_98 = arith.muli %add3A_96, %mul3A_97 : i32
    %add3A_99 = vector.broadcast %mul3A_98 : i32 to vector<1x288xi32>
    %add3A_100 = arith.addi %get3A_92, %add3A_99 : vector<1x288xi32>
    %swap3A_101 = arith.constant 3 : index
    %swap3A_102 = arith.constant 0 : index
    %swap3A_103 = arith.constant 0 : index
    %swap3A_104 = vector.load %arg9[%swap3A_101, %swap3A_102, %swap3A_103] : memref<8x1x288xi32, #tpu.memory_space<vmem>>, vector<1x1x288xi32>
    %swap3A_105 = vector.shape_cast %swap3A_104 : vector<1x1x288xi32> to vector<1x288xi32>
    %swap3A_106 = vector.shape_cast %add3A_100 : vector<1x288xi32> to vector<1x1x288xi32>
    tpu.vector_store %arg9[%swap3A_101, %swap3A_102, %swap3A_103], %swap3A_106 {strides = array<i32>} : memref<8x1x288xi32, #tpu.memory_space<vmem>>, vector<1x1x288xi32>,
    %get3A_107 = arith.constant 4 : index
    %get3A_108 = arith.constant 0 : index
    %get3A_109 = arith.constant 0 : index
    %get3A_110 = vector.load %arg4[%get3A_107, %get3A_108, %get3A_109] : memref<8x1x288xi32, #tpu.memory_space<vmem>>, vector<1x1x288xi32>
    %get3A_111 = vector.shape_cast %get3A_110 : vector<1x1x288xi32> to vector<1x288xi32>
    %mul3A_112 = arith.constant 8 : i32
    %mul3A_113 = arith.muli %arg0, %mul3A_112 : i32
    %add3A_114 = arith.constant 4 : i32
    %add3A_115 = arith.addi %mul3A_113, %add3A_114 : i32
    %mul3A_116 = arith.constant 1152 : i32
    %mul3A_117 = arith.muli %add3A_115, %mul3A_116 : i32
    %add3A_118 = vector.broadcast %mul3A_117 : i32 to vector<1x288xi32>
    %add3A_119 = arith.addi %get3A_111, %add3A_118 : vector<1x288xi32>
    %swap3A_120 = arith.constant 4 : index
    %swap3A_121 = arith.constant 0 : index
    %swap3A_122 = arith.constant 0 : index
    %swap3A_123 = vector.load %arg9[%swap3A_120, %swap3A_121, %swap3A_122] : memref<8x1x288xi32, #tpu.memory_space<vmem>>, vector<1x1x288xi32>
    %swap3A_124 = vector.shape_cast %swap3A_123 : vector<1x1x288xi32> to vector<1x288xi32>
    %swap3A_125 = vector.shape_cast %add3A_119 : vector<1x288xi32> to vector<1x1x288xi32>
    tpu.vector_store %arg9[%swap3A_120, %swap3A_121, %swap3A_122], %swap3A_125 {strides = array<i32>} : memref<8x1x288xi32, #tpu.memory_space<vmem>>, vector<1x1x288xi32>,
    %get3A_126 = arith.constant 5 : index
    %get3A_127 = arith.constant 0 : index
    %get3A_128 = arith.constant 0 : index
    %get3A_129 = vector.load %arg4[%get3A_126, %get3A_127, %get3A_128] : memref<8x1x288xi32, #tpu.memory_space<vmem>>, vector<1x1x288xi32>
    %get3A_130 = vector.shape_cast %get3A_129 : vector<1x1x288xi32> to vector<1x288xi32>
    %mul3A_131 = arith.constant 8 : i32
    %mul3A_132 = arith.muli %arg0, %mul3A_131 : i32
    %add3A_133 = arith.constant 5 : i32
    %add3A_134 = arith.addi %mul3A_132, %add3A_133 : i32
    %mul3A_135 = arith.constant 1152 : i32
    %mul3A_136 = arith.muli %add3A_134, %mul3A_135 : i32
    %add3A_137 = vector.broadcast %mul3A_136 : i32 to vector<1x288xi32>
    %add3A_138 = arith.addi %get3A_130, %add3A_137 : vector<1x288xi32>
    %swap3A_139 = arith.constant 5 : index
    %swap3A_140 = arith.constant 0 : index
    %swap3A_141 = arith.constant 0 : index
    %swap3A_142 = vector.load %arg9[%swap3A_139, %swap3A_140, %swap3A_141] : memref<8x1x288xi32, #tpu.memory_space<vmem>>, vector<1x1x288xi32>
    %swap3A_143 = vector.shape_cast %swap3A_142 : vector<1x1x288xi32> to vector<1x288xi32>
    %swap3A_144 = vector.shape_cast %add3A_138 : vector<1x288xi32> to vector<1x1x288xi32>
    tpu.vector_store %arg9[%swap3A_139, %swap3A_140, %swap3A_141], %swap3A_144 {strides = array<i32>} : memref<8x1x288xi32, #tpu.memory_space<vmem>>, vector<1x1x288xi32>,
    %get3A_145 = arith.constant 6 : index
    %get3A_146 = arith.constant 0 : index
    %get3A_147 = arith.constant 0 : index
    %get3A_148 = vector.load %arg4[%get3A_145, %get3A_146, %get3A_147] : memref<8x1x288xi32, #tpu.memory_space<vmem>>, vector<1x1x288xi32>
    %get3A_149 = vector.shape_cast %get3A_148 : vector<1x1x288xi32> to vector<1x288xi32>
    %mul3A_150 = arith.constant 8 : i32
    %mul3A_151 = arith.muli %arg0, %mul3A_150 : i32
    %add3A_152 = arith.constant 6 : i32
    %add3A_153 = arith.addi %mul3A_151, %add3A_152 : i32
    %mul3A_154 = arith.constant 1152 : i32
    %mul3A_155 = arith.muli %add3A_153, %mul3A_154 : i32
    %add3A_156 = vector.broadcast %mul3A_155 : i32 to vector<1x288xi32>
    %add3A_157 = arith.addi %get3A_149, %add3A_156 : vector<1x288xi32>
    %swap3A_158 = arith.constant 6 : index
    %swap3A_159 = arith.constant 0 : index
    %swap3A_160 = arith.constant 0 : index
    %swap3A_161 = vector.load %arg9[%swap3A_158, %swap3A_159, %swap3A_160] : memref<8x1x288xi32, #tpu.memory_space<vmem>>, vector<1x1x288xi32>
    %swap3A_162 = vector.shape_cast %swap3A_161 : vector<1x1x288xi32> to vector<1x288xi32>
    %swap3A_163 = vector.shape_cast %add3A_157 : vector<1x288xi32> to vector<1x1x288xi32>
    tpu.vector_store %arg9[%swap3A_158, %swap3A_159, %swap3A_160], %swap3A_163 {strides = array<i32>} : memref<8x1x288xi32, #tpu.memory_space<vmem>>, vector<1x1x288xi32>,
    %get3A_164 = arith.constant 7 : index
    %get3A_165 = arith.constant 0 : index
    %get3A_166 = arith.constant 0 : index
    %get3A_167 = vector.load %arg4[%get3A_164, %get3A_165, %get3A_166] : memref<8x1x288xi32, #tpu.memory_space<vmem>>, vector<1x1x288xi32>
    %get3A_168 = vector.shape_cast %get3A_167 : vector<1x1x288xi32> to vector<1x288xi32>
    %mul3A_169 = arith.constant 8 : i32
    %mul3A_170 = arith.muli %arg0, %mul3A_169 : i32
    %add3A_171 = arith.constant 7 : i32
    %add3A_172 = arith.addi %mul3A_170, %add3A_171 : i32
    %mul3A_173 = arith.constant 1152 : i32
    %mul3A_174 = arith.muli %add3A_172, %mul3A_173 : i32
    %add3A_175 = vector.broadcast %mul3A_174 : i32 to vector<1x288xi32>
    %add3A_176 = arith.addi %get3A_168, %add3A_175 : vector<1x288xi32>
    %swap3A_177 = arith.constant 7 : index
    %swap3A_178 = arith.constant 0 : index
    %swap3A_179 = arith.constant 0 : index
    %swap3A_180 = vector.load %arg9[%swap3A_177, %swap3A_178, %swap3A_179] : memref<8x1x288xi32, #tpu.memory_space<vmem>>, vector<1x1x288xi32>
    %swap3A_181 = vector.shape_cast %swap3A_180 : vector<1x1x288xi32> to vector<1x288xi32>
    %swap3A_182 = vector.shape_cast %add3A_176 : vector<1x288xi32> to vector<1x1x288xi32>
    tpu.vector_store %arg9[%swap3A_177, %swap3A_178, %swap3A_179], %swap3A_182 {strides = array<i32>} : memref<8x1x288xi32, #tpu.memory_space<vmem>>, vector<1x1x288xi32>,
    return
  }
  func.func @transform_0(%arg0: i32) -> (i32, i32, i32) {
    %c0_i32 = arith.constant 0 : i32
    %c0_i32_0 = arith.constant 0 : i32
    %c0_i32_1 = arith.constant 0 : i32
    return %arg0, %c0_i32, %c0_i32_0 : i32, i32, i32
  }
  func.func @transform_1(%arg0: i32) -> (i32, i32) {
    %c0_i32 = arith.constant 0 : i32
    %c0_i32_0 = arith.constant 0 : i32
    %c0_i32_1 = arith.constant 0 : i32
    return %c0_i32, %c0_i32_0 : i32, i32
  }
  func.func @transform_2(%arg0: i32) -> (i32, i32) {
    %c0_i32 = arith.constant 0 : i32
    %c0_i32_0 = arith.constant 0 : i32
    %c0_i32_1 = arith.constant 0 : i32
    return %c0_i32, %c0_i32_0 : i32, i32
  }
  func.func @transform_3(%arg0: i32) -> (i32, i32, i32) {
    %c0_i32 = arith.constant 0 : i32
    %c0_i32_0 = arith.constant 0 : i32
    %c0_i32_1 = arith.constant 0 : i32
    return %arg0, %c0_i32, %c0_i32_0 : i32, i32, i32
  }
  func.func @transform_4(%arg0: i32) -> (i32, i32, i32) {
    %c0_i32 = arith.constant 0 : i32
    %c0_i32_0 = arith.constant 0 : i32
    %c0_i32_1 = arith.constant 0 : i32
    return %arg0, %c0_i32, %c0_i32_0 : i32, i32, i32
  }
  func.func @transform_5(%arg0: i32) -> (i32, i32) {
    %c0_i32 = arith.constant 0 : i32
    %c0_i32_0 = arith.constant 0 : i32
    %c0_i32_1 = arith.constant 0 : i32
    return %c0_i32, %c0_i32_0 : i32, i32
  }
  func.func @transform_6(%arg0: i32) -> (i32, i32) {
    %c0_i32 = arith.constant 0 : i32
    %c0_i32_0 = arith.constant 0 : i32
    %c0_i32_1 = arith.constant 0 : i32
    return %c0_i32, %c0_i32_0 : i32, i32
  }
  func.func @transform_7(%arg0: i32) -> (i32, i32, i32) {
    %c0_i32 = arith.constant 0 : i32
    %c0_i32_0 = arith.constant 0 : i32
    %c0_i32_1 = arith.constant 0 : i32
    return %arg0, %c0_i32, %c0_i32_0 : i32, i32, i32
  }
  func.func @transform_8(%arg0: i32) -> (i32, i32, i32) {
    %c0_i32 = arith.constant 0 : i32
    %c0_i32_0 = arith.constant 0 : i32
    %c0_i32_1 = arith.constant 0 : i32
    return %arg0, %c0_i32, %c0_i32_0 : i32, i32, i32
  }
}

</mosaic_0001>

<sc_bundles>
// kernel: kernel.6.cloned.1.call-start
scs
__scs_entry_jumppad:
0x0: {  	(pc) =	sbr.rel $0x88, $3  }
0x1: {  	(tag) =	ssettag $0x0;
	lr =	simm.s32 $0x1  }
0x2: {  	[smem:$0x3F9A] =	sst lr;
	_ =	strace $0xD0000000  }
0x3: {  	_ = 	snop  }
0x4: {  	_ = 	snop  }
0x5: {  	_ = 	snop  }
0x6: {  	_ = 	snop  }
0x7: {  	_ = 	snop  }
__scs_overlays_trampoline_lowered:
0x8: {  	[smem:$0x3FA9] =	sst s0  }
0x9: {  	[smem:$0x3FAA] =	sst s1  }
0xa: {  	[smem:$0x3FAB] =	sst s2  }
0xb: {  	[smem:$0x3FAC] =	sst s3  }
0xc: {  	[smem:$0x3FAD] =	sst s4  }
0xd: {  	[smem:$0x3FAE] =	sst s5  }
0xe: {  	[smem:$0x3FAF] =	sst s6  }
0xf: {  	[smem:$0x3FB0] =	sst s7  }
0x10: {  	[smem:$0x3FB1] =	sst s8  }
0x11: {  	[smem:$0x3FB2] =	sst s9;
	s0 =	simm.s32 @!p0 $0x0  }
0x12: {  	s1 =	sld [smem:$0x3F98];
	s0 =	simm.s32 @p0 $0x1  }
0x13: {  	[smem:$0x3FB3] =	sst s0;
	s0 =	simm.s32 @!p1 $0x0  }
0x14: {  	s2 =	sld [smem:$0x3F97];
	s0 =	simm.s32 @p1 $0x1  }
0x15: {  	[smem:$0x3FB4] =	sst s0;
	s0 =	simm.s32 @!p2 $0x0  }
0x16: {  	s3 =	sld [smem:$0x3FDB];
	s0 =	simm.s32 @p2 $0x1  }
0x17: {  	s4 =	simm.s32 $0x1BF5;
	[smem:$0x3FB6] =	sst s0  }
0x18: {  	s0 =	sld [smem:$0x3F99];
	_ =	swait.ge [sflag:s4], $0x0  }
0x19: {  	s7 =	sld [smem:$0x3F9A]  }
0x1a: {  	s8 =	sadd.s32 $0xFFFFE003, lr  }
0x1b: {  	s9 =	sadd.s32 $0xFFFFFEF7, lr;
	s5 =	simm.s32 $0xFFFFFFFF;
	p2 =	slt.u32 s8, $0xFFFFF086  }
0x1c: {  	p1 =	slt.u32 s9, $0xF7A;
	s5 =	simm.s32 @!p2 $0x0  }
0x1d: {  	s5 =	simm.s32 @p1 $0x1;
	p0 =	seq.s32 s7, s2  }
0x1e: {  	s7 =	smul.u32 @!p0 $0xF7A, s2;
	p2 =	seq.s32 @!p0 s5, $0x0  }
0x1f: {  	s9 =	smul.u32 $0xF7A, s1;
	s8 =	simm.s32 @!p0 $0x1BF5;
	p2 =	por !p2, p0  }
0x20: {  	[sflag:s8] =	ssyncset.s32 @!p0 $0xFFFFF086;
	s6 =	sadd.s32 @!p0 s3, s7;
	s7 =	simm.s32 @!p0 $0x108  }
0x21: {  	s3 =	sadd.s32 s3, s9;
	s6 =	sadd.s32 @!p0 $0x88, s6;
	s7 =	simm.s32 @p2 $0x1082  }
0x22: {  	[simem:s7], [sflag:s8] =	dma.local @!p0 [hbm:s6], $0xF7A  }
0x23: {  	s9 =	sor.u32 $0xD0000000, s2;
	s6 =	simm.s32 $0x108;
	_ =	swait.ge @!p0 [sflag:s8], $0x0  }
0x24: {  	s3 =	sadd.s32 $0x88, s3;
	s6 =	simm.s32 @!p1 $0x1082;
	[sflag:s4] =	ssyncset.s32 $0xFFFFF086  }
0x25: {  	[simem:s6], [sflag:s4] =	dma.local [hbm:s3], $0xF7A  }
0x26: {  	[smem:$0x3F9A] =	sst s1;
	(tag) =	ssettag s2;
	_ =	strace s9  }
0x27: {  	s1 =	sld [smem:$0x3FAA]  }
0x28: {  	s2 =	sld [smem:$0x3FAB]  }
0x29: {  	s4 =	sld [smem:$0x3FAD]  }
0x2a: {  	p0 =	seq.s32 s5, $0x0;
	s5 =	sld [smem:$0x3FAE]  }
0x2b: {  	s6 =	sld [smem:$0x3FAF]  }
0x2c: {  	s7 =	sld [smem:$0x3FB0]  }
0x2d: {  	s3 =	simm.s32 $0x108;
	s8 =	sld [smem:$0x3FB1]  }
0x2e: {  	s3 =	simm.s32 @!p0 $0x1082;
	s9 =	sld [smem:$0x3FB2]  }
0x2f: {  	lr =	sadd.s32 s0, s3;
	s0 =	sld [smem:$0x3FA9]  }
0x30: {  	s3 =	sld [smem:$0x3FAC]  }
0x31: {  	[smem:$0x3FB5] =	sst s10  }
0x32: {  	s10 =	sld [smem:$0x3FB3];
	_ =	sdelay $0x3  }
0x33: {  	p0 =	seq.s32 s10, $0x1;
	s10 =	sld [smem:$0x3FB5];
	_ =	sdelay $0x3  }
0x34: {  	[smem:$0x3FB5] =	sst s10  }
0x35: {  	s10 =	sld [smem:$0x3FB4];
	_ =	sdelay $0x3  }
0x36: {  	p1 =	seq.s32 s10, $0x1;
	s10 =	sld [smem:$0x3FB5];
	_ =	sdelay $0x3  }
0x37: {  	[smem:$0x3FB5] =	sst s10  }
0x38: {  	s10 =	sld [smem:$0x3FB6]  }
0x39: {  	_ = 	snop;
	(pc) =	sbr.ind lr, $3  }
0x3a: {  	_ = 	snop  }
0x3b: {  	_ = 	snop  }
0x3c: {  	p2 =	seq.s32 s10, $0x1;
	s10 =	sld [smem:$0x3FB5]  }
0x3d: {  	_ =	shalt  }
0x3e: {  	_ =	shalt  }
0x3f: {  	_ =	shalt  }
0x40: {  	_ =	shalt  }
0x41: {  	_ =	shalt  }
0x42: {  	_ =	shalt  }
0x43: {  	_ =	shalt  }
0x44: {  	_ =	shalt  }
0x45: {  	_ =	shalt  }
0x46: {  	_ =	shalt  }
0x47: {  	_ =	shalt  }
0x48: {  	_ =	shalt  }
0x49: {  	_ =	shalt  }
0x4a: {  	_ =	shalt  }
0x4b: {  	_ =	shalt  }
0x4c: {  	_ =	shalt  }
0x4d: {  	_ =	shalt  }
0x4e: {  	_ =	shalt  }
0x4f: {  	_ =	shalt  }
0x50: {  	_ =	shalt  }
0x51: {  	_ =	shalt  }
0x52: {  	_ =	shalt  }
0x53: {  	_ =	shalt  }
0x54: {  	_ =	shalt  }
0x55: {  	_ =	shalt  }
0x56: {  	_ =	shalt  }
0x57: {  	_ =	shalt  }
0x58: {  	_ =	shalt  }
0x59: {  	_ =	shalt  }
0x5a: {  	_ =	shalt  }
0x5b: {  	_ =	shalt  }
0x5c: {  	_ =	shalt  }
0x5d: {  	_ =	shalt  }
0x5e: {  	_ =	shalt  }
0x5f: {  	_ =	shalt  }
0x60: {  	_ =	shalt  }
0x61: {  	_ =	shalt  }
0x62: {  	_ =	shalt  }
0x63: {  	_ =	shalt  }
0x64: {  	_ =	shalt  }
0x65: {  	_ =	shalt  }
0x66: {  	_ =	shalt  }
0x67: {  	_ =	shalt  }
0x68: {  	_ =	shalt  }
0x69: {  	_ =	shalt  }
0x6a: {  	_ =	shalt  }
0x6b: {  	_ =	shalt  }
0x6c: {  	_ =	shalt  }
0x6d: {  	_ =	shalt  }
0x6e: {  	_ =	shalt  }
0x6f: {  	_ =	shalt  }
0x70: {  	_ =	shalt  }
0x71: {  	_ =	shalt  }
0x72: {  	_ =	shalt  }
0x73: {  	_ =	shalt  }
0x74: {  	_ =	shalt  }
0x75: {  	_ =	shalt  }
0x76: {  	_ =	shalt  }
0x77: {  	_ =	shalt  }
0x78: {  	_ =	shalt  }
0x79: {  	_ =	shalt  }
0x7a: {  	_ =	shalt  }
0x7b: {  	_ =	shalt  }
0x7c: {  	_ =	shalt  }
0x7d: {  	_ =	shalt  }
0x7e: {  	_ =	shalt  }
0x7f: {  	_ =	shalt  }
0x80: {  	_ =	shalt  }
0x81: {  	_ =	shalt  }
0x82: {  	_ =	shalt  }
0x83: {  	_ =	shalt  }
0x84: {  	_ =	shalt  }
0x85: {  	_ =	shalt  }
0x86: {  	_ =	shalt  }
0x87: {  	_ =	shalt  }
.Lfunc_end0:
.L_simem_size_0:
called_computation_lowered:
.L_overlay_start_0:
0x88: {  	s2 =	sld [smem:$0x3FD9]  }
0x89: {  	s3 =	sld [smem:$0x3FFE];
	_ =	sdelay $0x1  }
0x8a: {  	s1 =	srdreg.scid  }
0x8b: {  	s0 =	sand.u32 $0x1, s1  }
0x8c: {  	s17 =	sshll.u32 s0, $0xA;
	s2 =	sadd.s32 s3, s2  }
0x8d: {  	s2 =	sadd.s32 s2, s17  }
0x8e: {  	[smem:$0x3FC1] =	sst s2  }
0x8f: {  	_ = 	snop  }
0x90: {  	s2 =	sld [smem:$0x3FD0];
	(tm) =	ssettm $0x1  }
0x91: {  	s18 =	sld [smem:$0x3FFB];
	_ =	sdelay $0x3  }
0x92: {  	_ =	strace s18  }
0x93: {  	s3 =	sld [smem:$0x3FFC];
	_ =	sdelay $0x3  }
0x94: {  	_ =	strace s3  }
0x95: {  	s3 =	sld [smem:$0x3FFD];
	_ =	sdelay $0x3  }
0x96: {  	_ =	strace s3  }
0x97: {  	_ =	strace $0x8FFFFFFF  }
0x98: {  	s19 =	sld [smem:$0x3FDB];
	_ =	sdelay $0x1  }
0x99: {  	s4 =	simm.s32 $_scs_section_size  }
0x9a: {  	s5 =	simm.s32 $_size__tile_overlayer_lowered;
	s6 =	simm.s32 $_tile_overlayer_lowered  }
0x9b: {  	s22 =	simm.s32 $0x1BFF;
	s21 =	sshll.u32 s6, $0x1;
	s3 =	sadd.s32 s4, s19  }
0x9c: {  	s7 =	simm.s32 $0x0;
	s20 =	sshll.u32 s5, $0x1;
	s5 =	sadd.s32 s21, s3  }
0x9d: {  	[timem:s7], [sflag:s22] =	dma.local [hbm:s5], s20  }
0x9e: {  	_ =	swait.ge [sflag:s22], s20  }
0x9f: {  	s4 =	ssub.s32 $0x0, s20;
	[sflag:s22] =	ssyncset.done $0x0  }
0xa0: {  	[sflag:s22] =	ssyncadd.s32 s4;
	_ =	sdelay $0x1  }
0xa1: {  	s23 =	simm.s32 $0x1B8B  }
0xa2: {  	_ =	swait.ge [sflag:s23], $0x1  }
0xa3: {  	[sflag:s23] =	ssyncset.done $0x0  }
0xa4: {  	s25 =	simm.s32 $0x1B8E;
	s24 =	sld [smem:$0x3FFE];
	[sflag:s23] =	ssyncadd.s32 $0xFFFFFFFF  }
0xa5: {  	s26 =	simm.s32 $execute0_lowered;
	[smem:$0x3FD2] =	sst s25  }
0xa6: {  	s5 =	sshll.u32 s26, $0x1;
	_ =	strace $0x80000046;
	[dreg:$0x1] =	wrdreg $0xFFFFFFFF  }
0xa7: {  	s28 =	simm.s32 $_size_execute0_lowered;
	s3 =	sadd.s32 s3, s5;
	[dreg:$0x0] =	wrdreg $0x0  }
0xa8: {  	s5 =	sshll.u32 s28, $0x1;
	[dreg:$0x2] =	wrdreg s3  }
0xa9: {  	[dreg:$0x3] =	wrdreg s5  }
0xaa: {  	[dreg:$0x4] =	wrdreg $0xC0  }
0xab: {  	_ =	task [dreg:s7], $0x5FFFF  }
0xac: {  	[dreg:$0x1] =	wrdreg $0xFFFFFFFF  }
0xad: {  	[dreg:$0x0] =	wrdreg $0x60  }
0xae: {  	[dreg:$0x2] =	wrdreg s24  }
0xaf: {  	[dreg:$0x3] =	wrdreg s2  }
0xb0: {  	[dreg:$0x4] =	wrdreg $0x0  }
0xb1: {  	[dreg:$0x5] =	wrdreg $0x9  }
0xb2: {  	_ =	task.clear_ibuf [dreg:s7], $0x6FFFF;
	_ =	strace $0x90000046  }
0xb3: {  	s29 =	simm.s32 $0x9;
	_ =	strace $0x80000048  }
0xb4: {  	_ =	swait.ge [sflag:s29], $0x1  }
0xb5: {  	[sflag:s29] =	ssyncadd.s32 $0xFFFFFFFF  }
0xb6: {  	_ =	strace $0x90000048  }
0xb7: {  	_ =	sfence  }
0xb8: {  	s30 =	sld [smem:$0x0];
	_ =	sdelay $0x2  }
0xb9: {  	s31 =	sshll.u32 s1, $0xD;
	s1 =	sshrl.u32 s1, $0x2  }
0xba: {  	s3 =	sand.u32 $0x4000, s31;
	s1 =	sadd.s32 s1, s30  }
0xbb: {  	s0 =	sor.u32 s3, s0;
	s1 =	sshll.u32 s1, $0x11  }
0xbc: {  	s0 =	sor.u32 s1, s0  }
0xbd: {  	s0 =	sadd.s32 $0x8F2B, s0  }
0xbe: {  	[sflag:s0] =	ssyncadd.remote.s32 $0x1  }
0xbf: {  	_ =	sfence.sel $0xFFFF  }
0xc0: {  	[dreg:$0x0] =	wrdreg $0xFFFFFFFF;
	(pc) =	sbr.abs _section_cstart, $3  }
0xc1: {  	[dreg:$0x1] =	wrdreg $0xFFFFFFFF  }
0xc2: {  	_ =	task.clear_ibuf [dreg:s7], $0x2FFFF;
	_ =	strace $0x9FFFFFFF  }
0xc3: {  	(tm) =	ssettm $0x7FFFFFFF  }
tec
execute0_lowered:
.L_overlay_start_1:
0x0: {  	(tag) =	ssettag $0x1  }
0x1: {  	s0 =	srdreg.scid;
	s4 =	stileid.u32  }
0x2: {  	s1 =	sand.u32 $0x1, s0;
	s28 =	sshll.u32 s4, $0x1  }
0x3: {  	s3 =	sor.u32 s1, s28;
	s1 =	ssub.s32 $0x2, s1  }
0x4: {  	s2 =	rddreg [dreg:$0x0];
	s7 =	simm.s32 $0x0;
	s29 =	sshrl.u32 s1, $0x1  }
0x5: {  	[smem:$0x7FF] =	sst s7;
	s7 =	ssub.s32 s1, s29  }
0x6: {  	s5 =	rddreg [dreg:$0x1];
	s31 =	smax.u32 s7, $0x1  }
0x7: {  	s8 =	rddreg [dreg:$0x2];
	s6 =	smul.u32 $0x900, s3;
	s10 =	sadd.s32 $0xFFFFFFFF, s31  }
0x8: {  	p1 =	por $0x0, $0x0;
	s9 =	smul.u32 $0x1B000, s3;
	p2 =	sne.s32 s10, $0x0  }
.Ltmp0:
0x9: {  	s0 =	rddreg [dreg:$0x3];
	s6 =	sshrl.u32 s6, $0x3;
	(pc) =	sbr.rel @!p2 .LBB2_3-.Ltmp0, $4  }
0xa: {  	p0 =	sne.s32 s4, $0x0;
	s4 =	sshll.u32 s4, $0x6;
	s6 =	smul.u32 $0x180, s6  }
0xb: {  	_ =	strace $0x80000047;
	s3 =	sadd.s32 $0x1800, s2;
	s1 =	sadd.s32 s5, s9  }
0xc: {  	s7 =	sshrl.u32 @!p0 s8, $0x3;
	s30 =	sadd.s32 s5, s6;
	s5 =	sor.u32 $0x1C01, s4  }
0xd: {  	s6 =	sshrl.u32 s8, $0x3;
	s4 =	simm.s32 $0x1;
	s2 =	sadd.s32 $0xD800, s30  }
0xe: {  	s8 =	simm.s32 @!p0 $0x1C01;
	s9 =	simm.s32 @!p0 $0x1  }
0xf: {  	[spmem:s7], [sflag:s8] =	dma.local @!p0 [hbm:s3], $0xD800  }
0x10: {  	_ =	swait.ge @!p0 [sflag:s9], $0xD800  }
0x11: {  	[sflag:s9] =	ssyncset.done @!p0 $0x0  }
0x12: {  	s10 =	sadd.s32 $0xFFFFFFFF, s10;
	[sflag:s9] =	ssyncadd.s32 @!p0 $0xFFFF2800  }
0x13: {  	p2 =	sne.s32 s10, $0x0;
	[bflag:$0x0] =	sbarrier.arrive $0xFFFF  }
0x14: {  	[hbm:s1], [sflag:s5] =	dma.local [spmem:s6], $0xD800  }
0x15: {  	[hbm:s2], [sflag:s5] =	dma.local [spmem:s6], $0xD800  }
.Ltmp1:
0x16: {  	_ =	swait.ge [sflag:s4], $0xD800;
	(pc) =	sbr.rel @!p2 .LBB2_3-.Ltmp1, $4  }
0x17: {  	[sflag:s4] =	ssyncset.done $0x0  }
0x18: {  	[sflag:s4] =	ssyncadd.s32 $0xFFFF2800  }
0x19: {  	_ =	swait.ge [sflag:s4], $0xD800  }
0x1a: {  	p1 =	por $0x1, $0x1;
	[sflag:s4] =	ssyncset.done $0x0  }
.LBB2_2:
0x1b: {  	[sflag:s4] =	ssyncadd.s32 $0xFFFF2800  }
0x1c: {  	[spmem:s7], [sflag:s8] =	dma.local @!p0 [hbm:s3], $0xD800  }
0x1d: {  	s10 =	sadd.s32 $0xFFFFFFFF, s10;
	_ =	swait.ge @!p0 [sflag:s9], $0xD800  }
0x1e: {  	p2 =	sne.s32 s10, $0x0;
	[sflag:s9] =	ssyncset.done @!p0 $0x0  }
0x1f: {  	[sflag:s9] =	ssyncadd.s32 @!p0 $0xFFFF2800  }
0x20: {  	[bflag:$0x0] =	sbarrier.arrive $0xFFFF  }
0x21: {  	[hbm:s1], [sflag:s5] =	dma.local [spmem:s6], $0xD800  }
0x22: {  	[hbm:s2], [sflag:s5] =	dma.local [spmem:s6], $0xD800  }
.Ltmp2:
0x23: {  	_ =	swait.ge [sflag:s4], $0xD800;
	(pc) =	sbr.rel @p2 .LBB2_2-.Ltmp2, $4  }
0x24: {  	[sflag:s4] =	ssyncset.done $0x0  }
0x25: {  	[sflag:s4] =	ssyncadd.s32 $0xFFFF2800  }
0x26: {  	_ =	swait.ge [sflag:s4], $0xD800  }
0x27: {  	[sflag:s4] =	ssyncset.done $0x0  }
.LBB2_3:
0x28: {  	s8 =	simm.s32 @!p0 $0x1C01;
	s9 =	simm.s32 @!p0 $0x1;
	[sflag:s4] =	ssyncadd.s32 @p1 $0xFFFF2800  }
0x29: {  	[spmem:s7], [sflag:s8] =	dma.local @!p0 [hbm:s3], $0xD800  }
0x2a: {  	_ =	swait.ge @!p0 [sflag:s9], $0xD800  }
0x2b: {  	[sflag:s9] =	ssyncset.done @!p0 $0x0  }
0x2c: {  	[sflag:s9] =	ssyncadd.s32 @!p0 $0xFFFF2800  }
0x2d: {  	[bflag:$0x0] =	sbarrier.arrive $0xFFFF  }
0x2e: {  	[hbm:s1], [sflag:s5] =	dma.local [spmem:s6], $0xD800  }
0x2f: {  	[hbm:s2], [sflag:s5] =	dma.local [spmem:s6], $0xD800  }
0x30: {  	_ =	swait.ge [sflag:s4], $0xD800  }
0x31: {  	[sflag:s4] =	ssyncset.done $0x0  }
0x32: {  	[sflag:s4] =	ssyncadd.s32 $0xFFFF2800  }
0x33: {  	_ =	swait.ge [sflag:s4], $0xD800  }
0x34: {  	[sflag:s4] =	ssyncset.done $0x0  }
0x35: {  	[sflag:s4] =	ssyncadd.s32 $0xFFFF2800  }
0x36: {  	_ =	sfence.sel $0x180000  }
0x37: {  	[bflag:$0x0] =	sbarrier.arrive $0xFFFF  }
0x38: {  	_ =	strace $0x90000047  }
0x39: {  	s0 =	sadd.s32 @!p0 $0x100000, s0;
	[bflag:$0x2] =	sbarrier.arrive $0xFFFF  }
0x3a: {  	[sflag:s0] =	ssyncadd.tile.s32 @!p0 $0x1;
	_ =	shalt  }
.Lfunc_end2:
_tile_overlayer_lowered:
.L_overlay_start_2:
0x3b: {  	(tag) =	ssettag $0x2  }
0x3c: {  	s0 =	rddreg [dreg:$0x0];
	s2 =	stileid.u32  }
0x3d: {  	s1 =	rddreg [dreg:$0x1];
	p0 =	sne.s32 s2, $0x0  }
0x3e: {  	s3 =	rddreg [dreg:$0x2];
	[bflag:$0x3] =	sbarrier.arrive $0xFFFF;
	s2 =	simm.s32 @!p0 $0x1C02  }
0x3f: {  	[timem:s3], [sflag:s2] =	dma.local @!p0 [hbm:s0], s1  }
0x40: {  	s0 =	simm.s32 @!p0 $0x2  }
0x41: {  	_ =	swait.ge @!p0 [sflag:s0], s1  }
0x42: {  	s1 =	ssub.s32 @!p0 $0x0, s1;
	[sflag:s0] =	ssyncset.done @!p0 $0x0  }
0x43: {  	[sflag:s0] =	ssyncadd.s32 @!p0 s1  }
0x44: {  	[bflag:$0x3] =	sbarrier.arrive $0xFFFF  }
0x45: {  	_ =	shalt  }

// kernel: kernel.9.cloned.1.call-start
scs
__scs_entry_jumppad:
0x0: {  	(pc) =	sbr.rel $0x88, $3  }
0x1: {  	(tag) =	ssettag $0x0;
	lr =	simm.s32 $0x1  }
0x2: {  	[smem:$0x3F9A] =	sst lr;
	_ =	strace $0xD0000000  }
0x3: {  	_ = 	snop  }
0x4: {  	_ = 	snop  }
0x5: {  	_ = 	snop  }
0x6: {  	_ = 	snop  }
0x7: {  	_ = 	snop  }
__scs_overlays_trampoline_lowered:
0x8: {  	[smem:$0x3FA9] =	sst s0  }
0x9: {  	[smem:$0x3FAA] =	sst s1  }
0xa: {  	[smem:$0x3FAB] =	sst s2  }
0xb: {  	[smem:$0x3FAC] =	sst s3  }
0xc: {  	[smem:$0x3FAD] =	sst s4  }
0xd: {  	[smem:$0x3FAE] =	sst s5  }
0xe: {  	[smem:$0x3FAF] =	sst s6  }
0xf: {  	[smem:$0x3FB0] =	sst s7  }
0x10: {  	[smem:$0x3FB1] =	sst s8  }
0x11: {  	[smem:$0x3FB2] =	sst s9;
	s0 =	simm.s32 @!p0 $0x0  }
0x12: {  	s1 =	sld [smem:$0x3F98];
	s0 =	simm.s32 @p0 $0x1  }
0x13: {  	[smem:$0x3FB3] =	sst s0;
	s0 =	simm.s32 @!p1 $0x0  }
0x14: {  	s2 =	sld [smem:$0x3F97];
	s0 =	simm.s32 @p1 $0x1  }
0x15: {  	[smem:$0x3FB4] =	sst s0;
	s0 =	simm.s32 @!p2 $0x0  }
0x16: {  	s3 =	sld [smem:$0x3FDB];
	s0 =	simm.s32 @p2 $0x1  }
0x17: {  	s4 =	simm.s32 $0x1BF5;
	[smem:$0x3FB6] =	sst s0  }
0x18: {  	s0 =	sld [smem:$0x3F99];
	_ =	swait.ge [sflag:s4], $0x0  }
0x19: {  	s7 =	sld [smem:$0x3F9A]  }
0x1a: {  	s8 =	sadd.s32 $0xFFFFE003, lr  }
0x1b: {  	s9 =	sadd.s32 $0xFFFFFEF7, lr;
	s5 =	simm.s32 $0xFFFFFFFF;
	p2 =	slt.u32 s8, $0xFFFFF086  }
0x1c: {  	p1 =	slt.u32 s9, $0xF7A;
	s5 =	simm.s32 @!p2 $0x0  }
0x1d: {  	s5 =	simm.s32 @p1 $0x1;
	p0 =	seq.s32 s7, s2  }
0x1e: {  	s7 =	smul.u32 @!p0 $0xF7A, s2;
	p2 =	seq.s32 @!p0 s5, $0x0  }
0x1f: {  	s9 =	smul.u32 $0xF7A, s1;
	s8 =	simm.s32 @!p0 $0x1BF5;
	p2 =	por !p2, p0  }
0x20: {  	[sflag:s8] =	ssyncset.s32 @!p0 $0xFFFFF086;
	s6 =	sadd.s32 @!p0 s3, s7;
	s7 =	simm.s32 @!p0 $0x108  }
0x21: {  	s3 =	sadd.s32 s3, s9;
	s6 =	sadd.s32 @!p0 $0x88, s6;
	s7 =	simm.s32 @p2 $0x1082  }
0x22: {  	[simem:s7], [sflag:s8] =	dma.local @!p0 [hbm:s6], $0xF7A  }
0x23: {  	s9 =	sor.u32 $0xD0000000, s2;
	s6 =	simm.s32 $0x108;
	_ =	swait.ge @!p0 [sflag:s8], $0x0  }
0x24: {  	s3 =	sadd.s32 $0x88, s3;
	s6 =	simm.s32 @!p1 $0x1082;
	[sflag:s4] =	ssyncset.s32 $0xFFFFF086  }
0x25: {  	[simem:s6], [sflag:s4] =	dma.local [hbm:s3], $0xF7A  }
0x26: {  	[smem:$0x3F9A] =	sst s1;
	(tag) =	ssettag s2;
	_ =	strace s9  }
0x27: {  	s1 =	sld [smem:$0x3FAA]  }
0x28: {  	s2 =	sld [smem:$0x3FAB]  }
0x29: {  	s4 =	sld [smem:$0x3FAD]  }
0x2a: {  	p0 =	seq.s32 s5, $0x0;
	s5 =	sld [smem:$0x3FAE]  }
0x2b: {  	s6 =	sld [smem:$0x3FAF]  }
0x2c: {  	s7 =	sld [smem:$0x3FB0]  }
0x2d: {  	s3 =	simm.s32 $0x108;
	s8 =	sld [smem:$0x3FB1]  }
0x2e: {  	s3 =	simm.s32 @!p0 $0x1082;
	s9 =	sld [smem:$0x3FB2]  }
0x2f: {  	lr =	sadd.s32 s0, s3;
	s0 =	sld [smem:$0x3FA9]  }
0x30: {  	s3 =	sld [smem:$0x3FAC]  }
0x31: {  	[smem:$0x3FB5] =	sst s10  }
0x32: {  	s10 =	sld [smem:$0x3FB3];
	_ =	sdelay $0x3  }
0x33: {  	p0 =	seq.s32 s10, $0x1;
	s10 =	sld [smem:$0x3FB5];
	_ =	sdelay $0x3  }
0x34: {  	[smem:$0x3FB5] =	sst s10  }
0x35: {  	s10 =	sld [smem:$0x3FB4];
	_ =	sdelay $0x3  }
0x36: {  	p1 =	seq.s32 s10, $0x1;
	s10 =	sld [smem:$0x3FB5];
	_ =	sdelay $0x3  }
0x37: {  	[smem:$0x3FB5] =	sst s10  }
0x38: {  	s10 =	sld [smem:$0x3FB6]  }
0x39: {  	_ = 	snop;
	(pc) =	sbr.ind lr, $3  }
0x3a: {  	_ = 	snop  }
0x3b: {  	_ = 	snop  }
0x3c: {  	p2 =	seq.s32 s10, $0x1;
	s10 =	sld [smem:$0x3FB5]  }
0x3d: {  	_ =	shalt  }
0x3e: {  	_ =	shalt  }
0x3f: {  	_ =	shalt  }
0x40: {  	_ =	shalt  }
0x41: {  	_ =	shalt  }
0x42: {  	_ =	shalt  }
0x43: {  	_ =	shalt  }
0x44: {  	_ =	shalt  }
0x45: {  	_ =	shalt  }
0x46: {  	_ =	shalt  }
0x47: {  	_ =	shalt  }
0x48: {  	_ =	shalt  }
0x49: {  	_ =	shalt  }
0x4a: {  	_ =	shalt  }
0x4b: {  	_ =	shalt  }
0x4c: {  	_ =	shalt  }
0x4d: {  	_ =	shalt  }
0x4e: {  	_ =	shalt  }
0x4f: {  	_ =	shalt  }
0x50: {  	_ =	shalt  }
0x51: {  	_ =	shalt  }
0x52: {  	_ =	shalt  }
0x53: {  	_ =	shalt  }
0x54: {  	_ =	shalt  }
0x55: {  	_ =	shalt  }
0x56: {  	_ =	shalt  }
0x57: {  	_ =	shalt  }
0x58: {  	_ =	shalt  }
0x59: {  	_ =	shalt  }
0x5a: {  	_ =	shalt  }
0x5b: {  	_ =	shalt  }
0x5c: {  	_ =	shalt  }
0x5d: {  	_ =	shalt  }
0x5e: {  	_ =	shalt  }
0x5f: {  	_ =	shalt  }
0x60: {  	_ =	shalt  }
0x61: {  	_ =	shalt  }
0x62: {  	_ =	shalt  }
0x63: {  	_ =	shalt  }
0x64: {  	_ =	shalt  }
0x65: {  	_ =	shalt  }
0x66: {  	_ =	shalt  }
0x67: {  	_ =	shalt  }
0x68: {  	_ =	shalt  }
0x69: {  	_ =	shalt  }
0x6a: {  	_ =	shalt  }
0x6b: {  	_ =	shalt  }
0x6c: {  	_ =	shalt  }
0x6d: {  	_ =	shalt  }
0x6e: {  	_ =	shalt  }
0x6f: {  	_ =	shalt  }
0x70: {  	_ =	shalt  }
0x71: {  	_ =	shalt  }
0x72: {  	_ =	shalt  }
0x73: {  	_ =	shalt  }
0x74: {  	_ =	shalt  }
0x75: {  	_ =	shalt  }
0x76: {  	_ =	shalt  }
0x77: {  	_ =	shalt  }
0x78: {  	_ =	shalt  }
0x79: {  	_ =	shalt  }
0x7a: {  	_ =	shalt  }
0x7b: {  	_ =	shalt  }
0x7c: {  	_ =	shalt  }
0x7d: {  	_ =	shalt  }
0x7e: {  	_ =	shalt  }
0x7f: {  	_ =	shalt  }
0x80: {  	_ =	shalt  }
0x81: {  	_ =	shalt  }
0x82: {  	_ =	shalt  }
0x83: {  	_ =	shalt  }
0x84: {  	_ =	shalt  }
0x85: {  	_ =	shalt  }
0x86: {  	_ =	shalt  }
0x87: {  	_ =	shalt  }
.Lfunc_end0:
.L_simem_size_0:
called_computation.1_lowered:
.L_overlay_start_0:
0x88: {  	s2 =	sld [smem:$0x3FD9]  }
0x89: {  	s3 =	sld [smem:$0x3FFE];
	_ =	sdelay $0x1  }
0x8a: {  	s1 =	srdreg.scid  }
0x8b: {  	s0 =	sand.u32 $0x1, s1  }
0x8c: {  	s17 =	sshll.u32 s0, $0xA;
	s2 =	sadd.s32 s3, s2  }
0x8d: {  	s2 =	sadd.s32 s2, s17  }
0x8e: {  	[smem:$0x3FC1] =	sst s2  }
0x8f: {  	_ = 	snop  }
0x90: {  	s2 =	sld [smem:$0x3FD0];
	(tm) =	ssettm $0x1  }
0x91: {  	s18 =	sld [smem:$0x3FFB];
	_ =	sdelay $0x3  }
0x92: {  	_ =	strace s18  }
0x93: {  	s3 =	sld [smem:$0x3FFC];
	_ =	sdelay $0x3  }
0x94: {  	_ =	strace s3  }
0x95: {  	s3 =	sld [smem:$0x3FFD];
	_ =	sdelay $0x3  }
0x96: {  	_ =	strace s3  }
0x97: {  	_ =	strace $0x8FFFFFFF  }
0x98: {  	s19 =	sld [smem:$0x3FDB];
	_ =	sdelay $0x1  }
0x99: {  	s4 =	simm.s32 $_scs_section_size  }
0x9a: {  	s5 =	simm.s32 $_size__tile_overlayer_lowered;
	s6 =	simm.s32 $_tile_overlayer_lowered  }
0x9b: {  	s22 =	simm.s32 $0x1BFF;
	s21 =	sshll.u32 s6, $0x1;
	s3 =	sadd.s32 s4, s19  }
0x9c: {  	s7 =	simm.s32 $0x0;
	s20 =	sshll.u32 s5, $0x1;
	s5 =	sadd.s32 s21, s3  }
0x9d: {  	[timem:s7], [sflag:s22] =	dma.local [hbm:s5], s20  }
0x9e: {  	_ =	swait.ge [sflag:s22], s20  }
0x9f: {  	s4 =	ssub.s32 $0x0, s20;
	[sflag:s22] =	ssyncset.done $0x0  }
0xa0: {  	[sflag:s22] =	ssyncadd.s32 s4;
	_ =	sdelay $0x1  }
0xa1: {  	s23 =	simm.s32 $0x1B8B  }
0xa2: {  	_ =	swait.ge [sflag:s23], $0x1  }
0xa3: {  	[sflag:s23] =	ssyncset.done $0x0  }
0xa4: {  	s25 =	simm.s32 $0x1B8E;
	s24 =	sld [smem:$0x3FFE];
	[sflag:s23] =	ssyncadd.s32 $0xFFFFFFFF  }
0xa5: {  	s26 =	simm.s32 $execute0_lowered;
	[smem:$0x3FD2] =	sst s25  }
0xa6: {  	s5 =	sshll.u32 s26, $0x1;
	_ =	strace $0x80000049;
	[dreg:$0x1] =	wrdreg $0xFFFFFFFF  }
0xa7: {  	s28 =	simm.s32 $_size_execute0_lowered;
	s3 =	sadd.s32 s3, s5;
	[dreg:$0x0] =	wrdreg $0x0  }
0xa8: {  	s5 =	sshll.u32 s28, $0x1;
	[dreg:$0x2] =	wrdreg s3  }
0xa9: {  	[dreg:$0x3] =	wrdreg s5  }
0xaa: {  	[dreg:$0x4] =	wrdreg $0xC0  }
0xab: {  	_ =	task [dreg:s7], $0x5FFFF  }
0xac: {  	[dreg:$0x1] =	wrdreg $0xFFFFFFFF  }
0xad: {  	[dreg:$0x0] =	wrdreg $0x60  }
0xae: {  	[dreg:$0x2] =	wrdreg s24  }
0xaf: {  	[dreg:$0x3] =	wrdreg s2  }
0xb0: {  	[dreg:$0x4] =	wrdreg $0x9  }
0xb1: {  	_ =	task.clear_ibuf [dreg:s7], $0x5FFFF;
	_ =	strace $0x90000049  }
0xb2: {  	s29 =	simm.s32 $0x9;
	_ =	strace $0x8000004B  }
0xb3: {  	_ =	swait.ge [sflag:s29], $0x1  }
0xb4: {  	[sflag:s29] =	ssyncadd.s32 $0xFFFFFFFF  }
0xb5: {  	_ =	strace $0x9000004B  }
0xb6: {  	_ =	sfence  }
0xb7: {  	s30 =	sld [smem:$0x0];
	_ =	sdelay $0x2  }
0xb8: {  	s31 =	sshll.u32 s1, $0xD;
	s1 =	sshrl.u32 s1, $0x2  }
0xb9: {  	s3 =	sand.u32 $0x4000, s31;
	s1 =	sadd.s32 s1, s30  }
0xba: {  	s0 =	sor.u32 s3, s0;
	s1 =	sshll.u32 s1, $0x11  }
0xbb: {  	s0 =	sor.u32 s1, s0  }
0xbc: {  	s0 =	sadd.s32 $0x8F2B, s0  }
0xbd: {  	[sflag:s0] =	ssyncadd.remote.s32 $0x1  }
0xbe: {  	_ =	sfence.sel $0xFFFF  }
0xbf: {  	[dreg:$0x0] =	wrdreg $0xFFFFFFFF;
	(pc) =	sbr.abs _section_cstart, $3  }
0xc0: {  	[dreg:$0x1] =	wrdreg $0xFFFFFFFF  }
0xc1: {  	_ =	task.clear_ibuf [dreg:s7], $0x2FFFF;
	_ =	strace $0x9FFFFFFF  }
0xc2: {  	(tm) =	ssettm $0x7FFFFFFF  }
0xc3: {  	_ =	shalt  }
tec
execute0_lowered:
.L_overlay_start_1:
0x0: {  	(tag) =	ssettag $0x1  }
0x1: {  	s0 =	srdreg.scid  }
0x2: {  	s1 =	stileid.u32;
	s4 =	rddreg [dreg:$0x0]  }
0x3: {  	s2 =	rddreg [dreg:$0x1];
	s9 =	simm.s32 $0x1;
	s6 =	simm.s32 $0x3  }
0x4: {  	s10 =	simm.s32 $0x2;
	s0 =	sand.u32 $0x1, s0;
	s1 =	sshll.u32 s1, $0x1  }
0x5: {  	s12 =	simm.s32 $0x4;
	s7 =	simm.s32 $0xA000;
	s1 =	sor.u32 s0, s1  }
0x6: {  	s11 =	simm.s32 $0xA800;
	s15 =	simm.s32 $0xB400;
	s3 =	smul.u32 $0x240, s1  }
0x7: {  	s16 =	simm.s32 $0xB800;
	s17 =	simm.s32 $0xC000;
	s18 =	simm.s32 $0xC400  }
0x8: {  	s19 =	simm.s32 $0xCC00;
	s28 =	simm.s32 $0xFC00;
	s5 =	sshrl.u32 s3, $0x3  }
0x9: {  	s29 =	simm.s32 $0x10000;
	s1 =	sshll.u32 s1, $0x7;
	s5 =	smul.u32 $0x180, s5  }
0xa: {  	s30 =	simm.s32 $0x10800;
	s1 =	sadd.s32 s1, s4;
	s3 =	simm.s32 $0x0  }
0xb: {  	s1 =	sadd.s32 $0xE7000, s1;
	[smem:$0x7FF] =	sst s3;
	s4 =	sadd.s32 s5, s4  }
0xc: {  	_ =	strace $0x8000004A;
	[dreg:$0x3] =	wrdreg s1;
	s20 =	sadd.s32 $0xF000, s4  }
0xd: {  	s31 =	simm.s32 $0x10C00;
	s21 =	sadd.s32 $0x10200, s4;
	[dreg:$0x4] =	wrdreg s20  }
0xe: {  	s0 =	ssub.s32 $0x2, s0;
	s22 =	sadd.s32 $0x11400, s4;
	[dreg:$0x5] =	wrdreg s21  }
0xf: {  	s25 =	sshrl.u32 s0, $0x1;
	s23 =	sadd.s32 $0x12600, s4;
	[dreg:$0x6] =	wrdreg s22  }
0x10: {  	s0 =	ssub.s32 s0, s25;
	s24 =	sadd.s32 $0x13800, s4;
	[dreg:$0x7] =	wrdreg s23  }
0x11: {  	s25 =	simm.s32 $0xF000;
	s26 =	sadd.s32 $0x14A00, s4;
	[dreg:$0x8] =	wrdreg s24  }
0x12: {  	v2 =	vlaneseq.u32;
	s5 =	smax.u32 s0, $0x1;
	s4 =	sadd.s32 $0x100, s2;
	[dreg:$0x9] =	wrdreg s26  }
0x13: {  	vm0 =	vmmov $0xffff;
	vm1 =	vmmov $0xff;
	v1 =	vshrl.u32 v2, $0x3;
	s20 =	simm.s32 $0xD000;
	s21 =	simm.s32 $0xD800;
	s22 =	simm.s32 $0xDC00  }
0x14: {  	v0 =	vand.u32 $0x7, v2;
	v2 =	vor.u32 $0x8, v2;
	v1 =	vmul.u32 $0x8, v1;
	s23 =	simm.s32 $0xE400;
	s24 =	simm.s32 $0xE800;
	s26 =	simm.s32 $0xF400  }
.LBB2_1:
0x15: {  	s13 =	rddreg [dreg:$0x3];
	s14 =	simm.s32 $0x5  }
0x16: {  	[tilespmem:s3], [sflag:$0x5] =	stream.linear.gather [hbm4b:s13+s3], $0x300, $0x38;
	[tilespmem:$0x12400] =	vst v63  }
0x17: {  	_ =	swait.ge [sflag:s14], $0x300  }
0x18: {  	[sflag:s14] =	ssyncset.done $0x0  }
0x19: {  	s8 =	simm.s32 $0x400;
	s0 =	rddreg [dreg:$0x4];
	[sflag:s14] =	ssyncadd.s32 $0xFFFFFD00  }
0x1a: {  	[tilespmem:s8], [sflag:$0x1] =	stream.linear.gather [hbm4b:s0+s3], $0x9000, $0x38;
	[tilespmem:$0x12400] =	vst v63  }
0x1b: {  	s1 =	rddreg [dreg:$0x5];
	s0 =	simm.s32 $0x9400  }
0x1c: {  	[tilespmem:s0], [sflag:$0x2] =	stream.linear.gather [hbm4b:s1+s3], $0x9000, $0x38;
	[tilespmem:$0x12400] =	vst v63  }
0x1d: {  	_ =	swait.ge [sflag:s9], $0x9000  }
0x1e: {  	[sflag:s9] =	ssyncset.done $0x0  }
0x1f: {  	[sflag:s9] =	ssyncadd.s32 $0xFFFF7000  }
0x20: {  	v3 =	vld [tilespmem:$0x0];
	_ =	sdelay $0x4  }
0x21: {  	v4 =	vshrl.u32 v3, $0x3  }
0x22: {  	v4 =	vmul.u32 $0x18, v4  }
0x23: {  	v3 =	vand.u32 $0x7, v3  }
0x24: {  	v3 =	vor.u32 v3, v4  }
0x25: {  	v4 =	vperm.xlane v3, v0;
	_ =	sdelay $0x1  }
0x26: {  	v4 =	vadd.s32 v1, v4;
	_ =	sdelay $0x1  }
0x27: {  	v3 =	vperm.xlane v3, v2;
	_ =	sdelay $0x1  }
0x28: {  	v3 =	vadd.s32 v1, v3  }
0x29: {  	[hbm4b:s2+s3] =	stream.indirect_vreg.scatter [tilespmem:s8], [sflag:$0x3], $0x80, v4, vm0, $0xb8;
	[tilespmem:$0x12400] =	vst v63  }
0x2a: {  	s1 =	simm.s32 $0xC00  }
0x2b: {  	[hbm4b:s4+s3] =	stream.indirect_vreg.scatter [tilespmem:s1], [sflag:$0x3], $0x80, v4, vm1, $0xb8;
	[tilespmem:$0x12400] =	vst v63  }
0x2c: {  	s13 =	simm.s32 $0x1000  }
0x2d: {  	[hbm4b:s2+s3] =	stream.indirect_vreg.scatter [tilespmem:s13], [sflag:$0x3], $0x80, v3, vm0, $0xb8;
	[tilespmem:$0x12400] =	vst v63  }
0x2e: {  	s14 =	simm.s32 $0x1800  }
0x2f: {  	[hbm4b:s4+s3] =	stream.indirect_vreg.scatter [tilespmem:s14], [sflag:$0x3], $0x80, v3, vm1, $0xb8;
	[tilespmem:$0x12400] =	vst v63  }
0x30: {  	v3 =	vld [tilespmem:$0x10];
	_ =	sdelay $0x4  }
0x31: {  	v29 =	vshrl.u32 v3, $0x3  }
0x32: {  	v4 =	vmul.u32 $0x18, v29  }
0x33: {  	v3 =	vand.u32 $0x7, v3  }
0x34: {  	v3 =	vor.u32 v3, v4  }
0x35: {  	v4 =	vperm.xlane v3, v0;
	_ =	sdelay $0x1  }
0x36: {  	v4 =	vadd.s32 v1, v4;
	_ =	sdelay $0x1  }
0x37: {  	v3 =	vperm.xlane v3, v2;
	_ =	sdelay $0x1  }
0x38: {  	s13 =	simm.s32 $0x1C00;
	v3 =	vadd.s32 v1, v3  }
0x39: {  	[hbm4b:s2+s3] =	stream.indirect_vreg.scatter [tilespmem:s13], [sflag:$0x3], $0x80, v4, vm0, $0xb8;
	[tilespmem:$0x12400] =	vst v63  }
0x3a: {  	s14 =	simm.s32 $0x2400  }
0x3b: {  	[hbm4b:s4+s3] =	stream.indirect_vreg.scatter [tilespmem:s14], [sflag:$0x3], $0x80, v4, vm1, $0xb8;
	[tilespmem:$0x12400] =	vst v63  }
0x3c: {  	s13 =	simm.s32 $0x2800  }
0x3d: {  	[hbm4b:s2+s3] =	stream.indirect_vreg.scatter [tilespmem:s13], [sflag:$0x3], $0x80, v3, vm0, $0xb8;
	[tilespmem:$0x12400] =	vst v63  }
0x3e: {  	s14 =	simm.s32 $0x3000  }
0x3f: {  	[hbm4b:s4+s3] =	stream.indirect_vreg.scatter [tilespmem:s14], [sflag:$0x3], $0x80, v3, vm1, $0xb8;
	[tilespmem:$0x12400] =	vst v63  }
0x40: {  	v3 =	vld [tilespmem:$0x20];
	_ =	sdelay $0x4  }
0x41: {  	v30 =	vshrl.u32 v3, $0x3  }
0x42: {  	v4 =	vmul.u32 $0x18, v30  }
0x43: {  	v3 =	vand.u32 $0x7, v3  }
0x44: {  	v3 =	vor.u32 v3, v4  }
0x45: {  	v4 =	vperm.xlane v3, v0;
	_ =	sdelay $0x1  }
0x46: {  	v4 =	vadd.s32 v1, v4;
	_ =	sdelay $0x1  }
0x47: {  	v3 =	vperm.xlane v3, v2;
	_ =	sdelay $0x1  }
0x48: {  	s13 =	simm.s32 $0x3400;
	v3 =	vadd.s32 v1, v3  }
0x49: {  	[hbm4b:s2+s3] =	stream.indirect_vreg.scatter [tilespmem:s13], [sflag:$0x3], $0x80, v4, vm0, $0xb8;
	[tilespmem:$0x12400] =	vst v63  }
0x4a: {  	s14 =	simm.s32 $0x3C00  }
0x4b: {  	[hbm4b:s4+s3] =	stream.indirect_vreg.scatter [tilespmem:s14], [sflag:$0x3], $0x80, v4, vm1, $0xb8;
	[tilespmem:$0x12400] =	vst v63  }
0x4c: {  	s13 =	simm.s32 $0x4000  }
0x4d: {  	[hbm4b:s2+s3] =	stream.indirect_vreg.scatter [tilespmem:s13], [sflag:$0x3], $0x80, v3, vm0, $0xb8;
	[tilespmem:$0x12400] =	vst v63  }
0x4e: {  	s14 =	simm.s32 $0x4800  }
0x4f: {  	[hbm4b:s4+s3] =	stream.indirect_vreg.scatter [tilespmem:s14], [sflag:$0x3], $0x80, v3, vm1, $0xb8;
	[tilespmem:$0x12400] =	vst v63  }
0x50: {  	v3 =	vld [tilespmem:$0x30];
	_ =	sdelay $0x4  }
0x51: {  	v31 =	vshrl.u32 v3, $0x3  }
0x52: {  	v4 =	vmul.u32 $0x18, v31  }
0x53: {  	v3 =	vand.u32 $0x7, v3  }
0x54: {  	v3 =	vor.u32 v3, v4  }
0x55: {  	v4 =	vperm.xlane v3, v0;
	_ =	sdelay $0x1  }
0x56: {  	v4 =	vadd.s32 v1, v4;
	_ =	sdelay $0x1  }
0x57: {  	v3 =	vperm.xlane v3, v2;
	_ =	sdelay $0x1  }
0x58: {  	s13 =	simm.s32 $0x4C00;
	v3 =	vadd.s32 v1, v3  }
0x59: {  	[hbm4b:s2+s3] =	stream.indirect_vreg.scatter [tilespmem:s13], [sflag:$0x3], $0x80, v4, vm0, $0xb8;
	[tilespmem:$0x12400] =	vst v63  }
0x5a: {  	s14 =	simm.s32 $0x5400  }
0x5b: {  	[hbm4b:s4+s3] =	stream.indirect_vreg.scatter [tilespmem:s14], [sflag:$0x3], $0x80, v4, vm1, $0xb8;
	[tilespmem:$0x12400] =	vst v63  }
0x5c: {  	s13 =	simm.s32 $0x5800  }
0x5d: {  	[hbm4b:s2+s3] =	stream.indirect_vreg.scatter [tilespmem:s13], [sflag:$0x3], $0x80, v3, vm0, $0xb8;
	[tilespmem:$0x12400] =	vst v63  }
0x5e: {  	s14 =	simm.s32 $0x6000  }
0x5f: {  	[hbm4b:s4+s3] =	stream.indirect_vreg.scatter [tilespmem:s14], [sflag:$0x3], $0x80, v3, vm1, $0xb8;
	[tilespmem:$0x12400] =	vst v63  }
0x60: {  	v3 =	vld [tilespmem:$0x40];
	_ =	sdelay $0x4  }
0x61: {  	v32 =	vshrl.u32 v3, $0x3  }
0x62: {  	v4 =	vmul.u32 $0x18, v32  }
0x63: {  	v3 =	vand.u32 $0x7, v3  }
0x64: {  	v3 =	vor.u32 v3, v4  }
0x65: {  	v4 =	vperm.xlane v3, v0;
	_ =	sdelay $0x1  }
0x66: {  	v4 =	vadd.s32 v1, v4;
	_ =	sdelay $0x1  }
0x67: {  	v3 =	vperm.xlane v3, v2;
	_ =	sdelay $0x1  }
0x68: {  	s13 =	simm.s32 $0x6400;
	v3 =	vadd.s32 v1, v3  }
0x69: {  	[hbm4b:s2+s3] =	stream.indirect_vreg.scatter [tilespmem:s13], [sflag:$0x3], $0x80, v4, vm0, $0xb8;
	[tilespmem:$0x12400] =	vst v63  }
0x6a: {  	s14 =	simm.s32 $0x6C00  }
0x6b: {  	[hbm4b:s4+s3] =	stream.indirect_vreg.scatter [tilespmem:s14], [sflag:$0x3], $0x80, v4, vm1, $0xb8;
	[tilespmem:$0x12400] =	vst v63  }
0x6c: {  	s13 =	simm.s32 $0x7000  }
0x6d: {  	[hbm4b:s2+s3] =	stream.indirect_vreg.scatter [tilespmem:s13], [sflag:$0x3], $0x80, v3, vm0, $0xb8;
	[tilespmem:$0x12400] =	vst v63  }
0x6e: {  	s14 =	simm.s32 $0x7800  }
0x6f: {  	[hbm4b:s4+s3] =	stream.indirect_vreg.scatter [tilespmem:s14], [sflag:$0x3], $0x80, v3, vm1, $0xb8;
	[tilespmem:$0x12400] =	vst v63  }
0x70: {  	v3 =	vld [tilespmem:$0x50];
	_ =	sdelay $0x4  }
0x71: {  	v33 =	vshrl.u32 v3, $0x3  }
0x72: {  	v4 =	vmul.u32 $0x18, v33  }
0x73: {  	v3 =	vand.u32 $0x7, v3  }
0x74: {  	v3 =	vor.u32 v3, v4  }
0x75: {  	v4 =	vperm.xlane v3, v0;
	_ =	sdelay $0x1  }
0x76: {  	v4 =	vadd.s32 v1, v4;
	_ =	sdelay $0x1  }
0x77: {  	v3 =	vperm.xlane v3, v2;
	_ =	sdelay $0x1  }
0x78: {  	s13 =	simm.s32 $0x7C00;
	v3 =	vadd.s32 v1, v3  }
0x79: {  	[hbm4b:s2+s3] =	stream.indirect_vreg.scatter [tilespmem:s13], [sflag:$0x3], $0x80, v4, vm0, $0xb8;
	[tilespmem:$0x12400] =	vst v63  }
0x7a: {  	s14 =	simm.s32 $0x8400  }
0x7b: {  	[hbm4b:s4+s3] =	stream.indirect_vreg.scatter [tilespmem:s14], [sflag:$0x3], $0x80, v4, vm1, $0xb8;
	[tilespmem:$0x12400] =	vst v63  }
0x7c: {  	s13 =	simm.s32 $0x8800  }
0x7d: {  	[hbm4b:s2+s3] =	stream.indirect_vreg.scatter [tilespmem:s13], [sflag:$0x3], $0x80, v3, vm0, $0xb8;
	[tilespmem:$0x12400] =	vst v63  }
0x7e: {  	s14 =	simm.s32 $0x9000  }
0x7f: {  	[hbm4b:s4+s3] =	stream.indirect_vreg.scatter [tilespmem:s14], [sflag:$0x3], $0x80, v3, vm1, $0xb8;
	[tilespmem:$0x12400] =	vst v63  }
0x80: {  	_ =	swait.ge [sflag:s6], $0x9000  }
0x81: {  	[sflag:s6] =	ssyncset.done $0x0  }
0x82: {  	s1 =	rddreg [dreg:$0x6];
	[sflag:s6] =	ssyncadd.s32 $0xFFFF7000  }
0x83: {  	[tilespmem:s8], [sflag:$0x1] =	stream.linear.gather [hbm4b:s1+s3], $0x9000, $0x38;
	[tilespmem:$0x12400] =	vst v63  }
0x84: {  	_ =	swait.ge [sflag:s10], $0x9000  }
0x85: {  	[sflag:s10] =	ssyncset.done $0x0  }
0x86: {  	[sflag:s10] =	ssyncadd.s32 $0xFFFF7000  }
0x87: {  	v3 =	vld [tilespmem:$0x80];
	_ =	sdelay $0x4  }
0x88: {  	v34 =	vshrl.u32 v3, $0x3  }
0x89: {  	v4 =	vmul.u32 $0x18, v34  }
0x8a: {  	v3 =	vand.u32 $0x7, v3  }
0x8b: {  	v3 =	vor.u32 v3, v4  }
0x8c: {  	v4 =	vperm.xlane v3, v0;
	_ =	sdelay $0x1  }
0x8d: {  	v4 =	vadd.s32 v1, v4;
	_ =	sdelay $0x1  }
0x8e: {  	v3 =	vperm.xlane v3, v2;
	_ =	sdelay $0x1  }
0x8f: {  	v3 =	vadd.s32 v1, v3  }
0x90: {  	[hbm4b:s2+s3] =	stream.indirect_vreg.scatter [tilespmem:s0], [sflag:$0x4], $0x80, v4, vm0, $0xb8;
	[tilespmem:$0x12400] =	vst v63  }
0x91: {  	s1 =	simm.s32 $0x9C00  }
0x92: {  	[hbm4b:s4+s3] =	stream.indirect_vreg.scatter [tilespmem:s1], [sflag:$0x4], $0x80, v4, vm1, $0xb8;
	[tilespmem:$0x12400] =	vst v63  }
0x93: {  	_ = 	snop  }
0x94: {  	[hbm4b:s2+s3] =	stream.indirect_vreg.scatter [tilespmem:s7], [sflag:$0x4], $0x80, v3, vm0, $0xb8;
	[tilespmem:$0x12400] =	vst v63  }
0x95: {  	_ = 	snop  }
0x96: {  	[hbm4b:s4+s3] =	stream.indirect_vreg.scatter [tilespmem:s11], [sflag:$0x4], $0x80, v3, vm1, $0xb8;
	[tilespmem:$0x12400] =	vst v63  }
0x97: {  	v3 =	vld [tilespmem:$0x90];
	_ =	sdelay $0x4  }
0x98: {  	v35 =	vshrl.u32 v3, $0x3  }
0x99: {  	v4 =	vmul.u32 $0x18, v35  }
0x9a: {  	v3 =	vand.u32 $0x7, v3  }
0x9b: {  	v3 =	vor.u32 v3, v4  }
0x9c: {  	v4 =	vperm.xlane v3, v0;
	_ =	sdelay $0x1  }
0x9d: {  	v4 =	vadd.s32 v1, v4;
	_ =	sdelay $0x1  }
0x9e: {  	v3 =	vperm.xlane v3, v2;
	_ =	sdelay $0x1  }
0x9f: {  	s14 =	simm.s32 $0xAC00;
	v3 =	vadd.s32 v1, v3  }
0xa0: {  	[hbm4b:s2+s3] =	stream.indirect_vreg.scatter [tilespmem:s14], [sflag:$0x4], $0x80, v4, vm0, $0xb8;
	[tilespmem:$0x12400] =	vst v63  }
0xa1: {  	_ = 	snop  }
0xa2: {  	[hbm4b:s4+s3] =	stream.indirect_vreg.scatter [tilespmem:s15], [sflag:$0x4], $0x80, v4, vm1, $0xb8;
	[tilespmem:$0x12400] =	vst v63  }
0xa3: {  	_ = 	snop  }
0xa4: {  	[hbm4b:s2+s3] =	stream.indirect_vreg.scatter [tilespmem:s16], [sflag:$0x4], $0x80, v3, vm0, $0xb8;
	[tilespmem:$0x12400] =	vst v63  }
0xa5: {  	_ = 	snop  }
0xa6: {  	[hbm4b:s4+s3] =	stream.indirect_vreg.scatter [tilespmem:s17], [sflag:$0x4], $0x80, v3, vm1, $0xb8;
	[tilespmem:$0x12400] =	vst v63  }
0xa7: {  	v3 =	vld [tilespmem:$0xA0];
	_ =	sdelay $0x4  }
0xa8: {  	v36 =	vshrl.u32 v3, $0x3  }
0xa9: {  	v4 =	vmul.u32 $0x18, v36  }
0xaa: {  	v3 =	vand.u32 $0x7, v3  }
0xab: {  	v3 =	vor.u32 v3, v4  }
0xac: {  	v4 =	vperm.xlane v3, v0;
	_ =	sdelay $0x1  }
0xad: {  	v4 =	vadd.s32 v1, v4;
	_ =	sdelay $0x1  }
0xae: {  	v3 =	vperm.xlane v3, v2;
	_ =	sdelay $0x1  }
0xaf: {  	v3 =	vadd.s32 v1, v3  }
0xb0: {  	[hbm4b:s2+s3] =	stream.indirect_vreg.scatter [tilespmem:s18], [sflag:$0x4], $0x80, v4, vm0, $0xb8;
	[tilespmem:$0x12400] =	vst v63  }
0xb1: {  	_ = 	snop  }
0xb2: {  	[hbm4b:s4+s3] =	stream.indirect_vreg.scatter [tilespmem:s19], [sflag:$0x4], $0x80, v4, vm1, $0xb8;
	[tilespmem:$0x12400] =	vst v63  }
0xb3: {  	_ = 	snop  }
0xb4: {  	[hbm4b:s2+s3] =	stream.indirect_vreg.scatter [tilespmem:s20], [sflag:$0x4], $0x80, v3, vm0, $0xb8;
	[tilespmem:$0x12400] =	vst v63  }
0xb5: {  	_ = 	snop  }
0xb6: {  	[hbm4b:s4+s3] =	stream.indirect_vreg.scatter [tilespmem:s21], [sflag:$0x4], $0x80, v3, vm1, $0xb8;
	[tilespmem:$0x12400] =	vst v63  }
0xb7: {  	v3 =	vld [tilespmem:$0xB0];
	_ =	sdelay $0x4  }
0xb8: {  	v37 =	vshrl.u32 v3, $0x3  }
0xb9: {  	v4 =	vmul.u32 $0x18, v37  }
0xba: {  	v3 =	vand.u32 $0x7, v3  }
0xbb: {  	v3 =	vor.u32 v3, v4  }
0xbc: {  	v4 =	vperm.xlane v3, v0;
	_ =	sdelay $0x1  }
0xbd: {  	v4 =	vadd.s32 v1, v4;
	_ =	sdelay $0x1  }
0xbe: {  	v3 =	vperm.xlane v3, v2;
	_ =	sdelay $0x1  }
0xbf: {  	v3 =	vadd.s32 v1, v3  }
0xc0: {  	[hbm4b:s2+s3] =	stream.indirect_vreg.scatter [tilespmem:s22], [sflag:$0x4], $0x80, v4, vm0, $0xb8;
	[tilespmem:$0x12400] =	vst v63  }
0xc1: {  	_ = 	snop  }
0xc2: {  	[hbm4b:s4+s3] =	stream.indirect_vreg.scatter [tilespmem:s23], [sflag:$0x4], $0x80, v4, vm1, $0xb8;
	[tilespmem:$0x12400] =	vst v63  }
0xc3: {  	_ = 	snop  }
0xc4: {  	[hbm4b:s2+s3] =	stream.indirect_vreg.scatter [tilespmem:s24], [sflag:$0x4], $0x80, v3, vm0, $0xb8;
	[tilespmem:$0x12400] =	vst v63  }
0xc5: {  	_ = 	snop  }
0xc6: {  	[hbm4b:s4+s3] =	stream.indirect_vreg.scatter [tilespmem:s25], [sflag:$0x4], $0x80, v3, vm1, $0xb8;
	[tilespmem:$0x12400] =	vst v63  }
0xc7: {  	v3 =	vld [tilespmem:$0xC0];
	_ =	sdelay $0x4  }
0xc8: {  	v38 =	vshrl.u32 v3, $0x3  }
0xc9: {  	v4 =	vmul.u32 $0x18, v38  }
0xca: {  	v3 =	vand.u32 $0x7, v3  }
0xcb: {  	v3 =	vor.u32 v3, v4  }
0xcc: {  	v4 =	vperm.xlane v3, v0;
	_ =	sdelay $0x1  }
0xcd: {  	v4 =	vadd.s32 v1, v4;
	_ =	sdelay $0x1  }
0xce: {  	v3 =	vperm.xlane v3, v2;
	_ =	sdelay $0x1  }
0xcf: {  	v3 =	vadd.s32 v1, v3  }
0xd0: {  	[hbm4b:s2+s3] =	stream.indirect_vreg.scatter [tilespmem:s26], [sflag:$0x4], $0x80, v4, vm0, $0xb8;
	[tilespmem:$0x12400] =	vst v63  }
0xd1: {  	_ = 	snop  }
0xd2: {  	[hbm4b:s4+s3] =	stream.indirect_vreg.scatter [tilespmem:s28], [sflag:$0x4], $0x80, v4, vm1, $0xb8;
	[tilespmem:$0x12400] =	vst v63  }
0xd3: {  	_ = 	snop  }
0xd4: {  	[hbm4b:s2+s3] =	stream.indirect_vreg.scatter [tilespmem:s29], [sflag:$0x4], $0x80, v3, vm0, $0xb8;
	[tilespmem:$0x12400] =	vst v63  }
0xd5: {  	_ = 	snop  }
0xd6: {  	[hbm4b:s4+s3] =	stream.indirect_vreg.scatter [tilespmem:s30], [sflag:$0x4], $0x80, v3, vm1, $0xb8;
	[tilespmem:$0x12400] =	vst v63  }
0xd7: {  	v3 =	vld [tilespmem:$0xD0];
	_ =	sdelay $0x4  }
0xd8: {  	v39 =	vshrl.u32 v3, $0x3  }
0xd9: {  	v4 =	vmul.u32 $0x18, v39  }
0xda: {  	v3 =	vand.u32 $0x7, v3  }
0xdb: {  	v3 =	vor.u32 v3, v4  }
0xdc: {  	v4 =	vperm.xlane v3, v0;
	_ =	sdelay $0x1  }
0xdd: {  	v4 =	vadd.s32 v1, v4;
	_ =	sdelay $0x1  }
0xde: {  	v3 =	vperm.xlane v3, v2;
	_ =	sdelay $0x1  }
0xdf: {  	v3 =	vadd.s32 v1, v3  }
0xe0: {  	[hbm4b:s2+s3] =	stream.indirect_vreg.scatter [tilespmem:s31], [sflag:$0x4], $0x80, v4, vm0, $0xb8;
	[tilespmem:$0x12400] =	vst v63  }
0xe1: {  	s13 =	simm.s32 $0x11400  }
0xe2: {  	[hbm4b:s4+s3] =	stream.indirect_vreg.scatter [tilespmem:s13], [sflag:$0x4], $0x80, v4, vm1, $0xb8;
	[tilespmem:$0x12400] =	vst v63  }
0xe3: {  	s13 =	simm.s32 $0x11800  }
0xe4: {  	[hbm4b:s2+s3] =	stream.indirect_vreg.scatter [tilespmem:s13], [sflag:$0x4], $0x80, v3, vm0, $0xb8;
	[tilespmem:$0x12400] =	vst v63  }
0xe5: {  	s13 =	simm.s32 $0x12000  }
0xe6: {  	[hbm4b:s4+s3] =	stream.indirect_vreg.scatter [tilespmem:s13], [sflag:$0x4], $0x80, v3, vm1, $0xb8;
	[tilespmem:$0x12400] =	vst v63  }
0xe7: {  	_ =	swait.ge [sflag:s12], $0x9000  }
0xe8: {  	[sflag:s12] =	ssyncset.done $0x0  }
0xe9: {  	s13 =	rddreg [dreg:$0x7];
	[sflag:s12] =	ssyncadd.s32 $0xFFFF7000  }
0xea: {  	[tilespmem:s0], [sflag:$0x2] =	stream.linear.gather [hbm4b:s13+s3], $0x9000, $0x38;
	[tilespmem:$0x12400] =	vst v63  }
0xeb: {  	_ =	swait.ge [sflag:s9], $0x9000  }
0xec: {  	[sflag:s9] =	ssyncset.done $0x0  }
0xed: {  	[sflag:s9] =	ssyncadd.s32 $0xFFFF7000  }
0xee: {  	v3 =	vld [tilespmem:$0x100];
	_ =	sdelay $0x4  }
0xef: {  	v40 =	vshrl.u32 v3, $0x3  }
0xf0: {  	v4 =	vmul.u32 $0x18, v40  }
0xf1: {  	v3 =	vand.u32 $0x7, v3  }
0xf2: {  	v3 =	vor.u32 v3, v4  }
0xf3: {  	v4 =	vperm.xlane v3, v0;
	_ =	sdelay $0x1  }
0xf4: {  	v4 =	vadd.s32 v1, v4;
	_ =	sdelay $0x1  }
0xf5: {  	v3 =	vperm.xlane v3, v2;
	_ =	sdelay $0x1  }
0xf6: {  	v3 =	vadd.s32 v1, v3  }
0xf7: {  	[hbm4b:s2+s3] =	stream.indirect_vreg.scatter [tilespmem:s8], [sflag:$0x3], $0x80, v4, vm0, $0xb8;
	[tilespmem:$0x12400] =	vst v63  }
0xf8: {  	s13 =	simm.s32 $0xC00  }
0xf9: {  	[hbm4b:s4+s3] =	stream.indirect_vreg.scatter [tilespmem:s13], [sflag:$0x3], $0x80, v4, vm1, $0xb8;
	[tilespmem:$0x12400] =	vst v63  }
0xfa: {  	s13 =	simm.s32 $0x1000  }
0xfb: {  	[hbm4b:s2+s3] =	stream.indirect_vreg.scatter [tilespmem:s13], [sflag:$0x3], $0x80, v3, vm0, $0xb8;
	[tilespmem:$0x12400] =	vst v63  }
0xfc: {  	s13 =	simm.s32 $0x1800  }
0xfd: {  	[hbm4b:s4+s3] =	stream.indirect_vreg.scatter [tilespmem:s13], [sflag:$0x3], $0x80, v3, vm1, $0xb8;
	[tilespmem:$0x12400] =	vst v63  }
0xfe: {  	v3 =	vld [tilespmem:$0x110];
	_ =	sdelay $0x4  }
0xff: {  	v41 =	vshrl.u32 v3, $0x3  }
0x100: {  	v4 =	vmul.u32 $0x18, v41  }
0x101: {  	v3 =	vand.u32 $0x7, v3  }
0x102: {  	v3 =	vor.u32 v3, v4  }
0x103: {  	v4 =	vperm.xlane v3, v0;
	_ =	sdelay $0x1  }
0x104: {  	v4 =	vadd.s32 v1, v4;
	_ =	sdelay $0x1  }
0x105: {  	v3 =	vperm.xlane v3, v2;
	_ =	sdelay $0x1  }
0x106: {  	s13 =	simm.s32 $0x1C00;
	v3 =	vadd.s32 v1, v3  }
0x107: {  	[hbm4b:s2+s3] =	stream.indirect_vreg.scatter [tilespmem:s13], [sflag:$0x3], $0x80, v4, vm0, $0xb8;
	[tilespmem:$0x12400] =	vst v63  }
0x108: {  	s13 =	simm.s32 $0x2400  }
0x109: {  	[hbm4b:s4+s3] =	stream.indirect_vreg.scatter [tilespmem:s13], [sflag:$0x3], $0x80, v4, vm1, $0xb8;
	[tilespmem:$0x12400] =	vst v63  }
0x10a: {  	s13 =	simm.s32 $0x2800  }
0x10b: {  	[hbm4b:s2+s3] =	stream.indirect_vreg.scatter [tilespmem:s13], [sflag:$0x3], $0x80, v3, vm0, $0xb8;
	[tilespmem:$0x12400] =	vst v63  }
0x10c: {  	s13 =	simm.s32 $0x3000  }
0x10d: {  	[hbm4b:s4+s3] =	stream.indirect_vreg.scatter [tilespmem:s13], [sflag:$0x3], $0x80, v3, vm1, $0xb8;
	[tilespmem:$0x12400] =	vst v63  }
0x10e: {  	v3 =	vld [tilespmem:$0x120];
	_ =	sdelay $0x4  }
0x10f: {  	v42 =	vshrl.u32 v3, $0x3  }
0x110: {  	v4 =	vmul.u32 $0x18, v42  }
0x111: {  	v3 =	vand.u32 $0x7, v3  }
0x112: {  	v3 =	vor.u32 v3, v4  }
0x113: {  	v4 =	vperm.xlane v3, v0;
	_ =	sdelay $0x1  }
0x114: {  	v4 =	vadd.s32 v1, v4;
	_ =	sdelay $0x1  }
0x115: {  	v3 =	vperm.xlane v3, v2;
	_ =	sdelay $0x1  }
0x116: {  	s13 =	simm.s32 $0x3400;
	v3 =	vadd.s32 v1, v3  }
0x117: {  	[hbm4b:s2+s3] =	stream.indirect_vreg.scatter [tilespmem:s13], [sflag:$0x3], $0x80, v4, vm0, $0xb8;
	[tilespmem:$0x12400] =	vst v63  }
0x118: {  	s13 =	simm.s32 $0x3C00  }
0x119: {  	[hbm4b:s4+s3] =	stream.indirect_vreg.scatter [tilespmem:s13], [sflag:$0x3], $0x80, v4, vm1, $0xb8;
	[tilespmem:$0x12400] =	vst v63  }
0x11a: {  	s13 =	simm.s32 $0x4000  }
0x11b: {  	[hbm4b:s2+s3] =	stream.indirect_vreg.scatter [tilespmem:s13], [sflag:$0x3], $0x80, v3, vm0, $0xb8;
	[tilespmem:$0x12400] =	vst v63  }
0x11c: {  	s13 =	simm.s32 $0x4800  }
0x11d: {  	[hbm4b:s4+s3] =	stream.indirect_vreg.scatter [tilespmem:s13], [sflag:$0x3], $0x80, v3, vm1, $0xb8;
	[tilespmem:$0x12400] =	vst v63  }
0x11e: {  	v3 =	vld [tilespmem:$0x130];
	_ =	sdelay $0x4  }
0x11f: {  	v43 =	vshrl.u32 v3, $0x3  }
0x120: {  	v4 =	vmul.u32 $0x18, v43  }
0x121: {  	v3 =	vand.u32 $0x7, v3  }
0x122: {  	v3 =	vor.u32 v3, v4  }
0x123: {  	v4 =	vperm.xlane v3, v0;
	_ =	sdelay $0x1  }
0x124: {  	v4 =	vadd.s32 v1, v4;
	_ =	sdelay $0x1  }
0x125: {  	v3 =	vperm.xlane v3, v2;
	_ =	sdelay $0x1  }
0x126: {  	s13 =	simm.s32 $0x4C00;
	v3 =	vadd.s32 v1, v3  }
0x127: {  	[hbm4b:s2+s3] =	stream.indirect_vreg.scatter [tilespmem:s13], [sflag:$0x3], $0x80, v4, vm0, $0xb8;
	[tilespmem:$0x12400] =	vst v63  }
0x128: {  	s13 =	simm.s32 $0x5400  }
0x129: {  	[hbm4b:s4+s3] =	stream.indirect_vreg.scatter [tilespmem:s13], [sflag:$0x3], $0x80, v4, vm1, $0xb8;
	[tilespmem:$0x12400] =	vst v63  }
0x12a: {  	s13 =	simm.s32 $0x5800  }
0x12b: {  	[hbm4b:s2+s3] =	stream.indirect_vreg.scatter [tilespmem:s13], [sflag:$0x3], $0x80, v3, vm0, $0xb8;
	[tilespmem:$0x12400] =	vst v63  }
0x12c: {  	s13 =	simm.s32 $0x6000  }
0x12d: {  	[hbm4b:s4+s3] =	stream.indirect_vreg.scatter [tilespmem:s13], [sflag:$0x3], $0x80, v3, vm1, $0xb8;
	[tilespmem:$0x12400] =	vst v63  }
0x12e: {  	v3 =	vld [tilespmem:$0x140];
	_ =	sdelay $0x4  }
0x12f: {  	v44 =	vshrl.u32 v3, $0x3  }
0x130: {  	v4 =	vmul.u32 $0x18, v44  }
0x131: {  	v3 =	vand.u32 $0x7, v3  }
0x132: {  	v3 =	vor.u32 v3, v4  }
0x133: {  	v4 =	vperm.xlane v3, v0;
	_ =	sdelay $0x1  }
0x134: {  	v4 =	vadd.s32 v1, v4;
	_ =	sdelay $0x1  }
0x135: {  	v3 =	vperm.xlane v3, v2;
	_ =	sdelay $0x1  }
0x136: {  	s13 =	simm.s32 $0x6400;
	v3 =	vadd.s32 v1, v3  }
0x137: {  	[hbm4b:s2+s3] =	stream.indirect_vreg.scatter [tilespmem:s13], [sflag:$0x3], $0x80, v4, vm0, $0xb8;
	[tilespmem:$0x12400] =	vst v63  }
0x138: {  	s13 =	simm.s32 $0x6C00  }
0x139: {  	[hbm4b:s4+s3] =	stream.indirect_vreg.scatter [tilespmem:s13], [sflag:$0x3], $0x80, v4, vm1, $0xb8;
	[tilespmem:$0x12400] =	vst v63  }
0x13a: {  	s13 =	simm.s32 $0x7000  }
0x13b: {  	[hbm4b:s2+s3] =	stream.indirect_vreg.scatter [tilespmem:s13], [sflag:$0x3], $0x80, v3, vm0, $0xb8;
	[tilespmem:$0x12400] =	vst v63  }
0x13c: {  	s13 =	simm.s32 $0x7800  }
0x13d: {  	[hbm4b:s4+s3] =	stream.indirect_vreg.scatter [tilespmem:s13], [sflag:$0x3], $0x80, v3, vm1, $0xb8;
	[tilespmem:$0x12400] =	vst v63  }
0x13e: {  	v3 =	vld [tilespmem:$0x150];
	_ =	sdelay $0x4  }
0x13f: {  	v45 =	vshrl.u32 v3, $0x3  }
0x140: {  	v4 =	vmul.u32 $0x18, v45  }
0x141: {  	v3 =	vand.u32 $0x7, v3  }
0x142: {  	v3 =	vor.u32 v3, v4  }
0x143: {  	v4 =	vperm.xlane v3, v0;
	_ =	sdelay $0x1  }
0x144: {  	v4 =	vadd.s32 v1, v4;
	_ =	sdelay $0x1  }
0x145: {  	v3 =	vperm.xlane v3, v2;
	_ =	sdelay $0x1  }
0x146: {  	s13 =	simm.s32 $0x7C00;
	v3 =	vadd.s32 v1, v3  }
0x147: {  	[hbm4b:s2+s3] =	stream.indirect_vreg.scatter [tilespmem:s13], [sflag:$0x3], $0x80, v4, vm0, $0xb8;
	[tilespmem:$0x12400] =	vst v63  }
0x148: {  	s13 =	simm.s32 $0x8400  }
0x149: {  	[hbm4b:s4+s3] =	stream.indirect_vreg.scatter [tilespmem:s13], [sflag:$0x3], $0x80, v4, vm1, $0xb8;
	[tilespmem:$0x12400] =	vst v63  }
0x14a: {  	s13 =	simm.s32 $0x8800  }
0x14b: {  	[hbm4b:s2+s3] =	stream.indirect_vreg.scatter [tilespmem:s13], [sflag:$0x3], $0x80, v3, vm0, $0xb8;
	[tilespmem:$0x12400] =	vst v63  }
0x14c: {  	s13 =	simm.s32 $0x9000  }
0x14d: {  	[hbm4b:s4+s3] =	stream.indirect_vreg.scatter [tilespmem:s13], [sflag:$0x3], $0x80, v3, vm1, $0xb8;
	[tilespmem:$0x12400] =	vst v63  }
0x14e: {  	_ =	swait.ge [sflag:s6], $0x9000  }
0x14f: {  	[sflag:s6] =	ssyncset.done $0x0  }
0x150: {  	s13 =	rddreg [dreg:$0x8];
	[sflag:s6] =	ssyncadd.s32 $0xFFFF7000  }
0x151: {  	[tilespmem:s8], [sflag:$0x1] =	stream.linear.gather [hbm4b:s13+s3], $0x9000, $0x38;
	[tilespmem:$0x12400] =	vst v63  }
0x152: {  	_ =	swait.ge [sflag:s10], $0x9000  }
0x153: {  	[sflag:s10] =	ssyncset.done $0x0  }
0x154: {  	[sflag:s10] =	ssyncadd.s32 $0xFFFF7000  }
0x155: {  	v3 =	vld [tilespmem:$0x180];
	_ =	sdelay $0x4  }
0x156: {  	v46 =	vshrl.u32 v3, $0x3  }
0x157: {  	v4 =	vmul.u32 $0x18, v46  }
0x158: {  	v3 =	vand.u32 $0x7, v3  }
0x159: {  	v3 =	vor.u32 v3, v4  }
0x15a: {  	v4 =	vperm.xlane v3, v0;
	_ =	sdelay $0x1  }
0x15b: {  	v4 =	vadd.s32 v1, v4;
	_ =	sdelay $0x1  }
0x15c: {  	v3 =	vperm.xlane v3, v2;
	_ =	sdelay $0x1  }
0x15d: {  	v3 =	vadd.s32 v1, v3  }
0x15e: {  	[hbm4b:s2+s3] =	stream.indirect_vreg.scatter [tilespmem:s0], [sflag:$0x4], $0x80, v4, vm0, $0xb8;
	[tilespmem:$0x12400] =	vst v63  }
0x15f: {  	_ = 	snop  }
0x160: {  	[hbm4b:s4+s3] =	stream.indirect_vreg.scatter [tilespmem:s1], [sflag:$0x4], $0x80, v4, vm1, $0xb8;
	[tilespmem:$0x12400] =	vst v63  }
0x161: {  	_ = 	snop  }
0x162: {  	[hbm4b:s2+s3] =	stream.indirect_vreg.scatter [tilespmem:s7], [sflag:$0x4], $0x80, v3, vm0, $0xb8;
	[tilespmem:$0x12400] =	vst v63  }
0x163: {  	_ = 	snop  }
0x164: {  	[hbm4b:s4+s3] =	stream.indirect_vreg.scatter [tilespmem:s11], [sflag:$0x4], $0x80, v3, vm1, $0xb8;
	[tilespmem:$0x12400] =	vst v63  }
0x165: {  	v3 =	vld [tilespmem:$0x190];
	_ =	sdelay $0x4  }
0x166: {  	v47 =	vshrl.u32 v3, $0x3  }
0x167: {  	v4 =	vmul.u32 $0x18, v47  }
0x168: {  	v3 =	vand.u32 $0x7, v3  }
0x169: {  	v3 =	vor.u32 v3, v4  }
0x16a: {  	v4 =	vperm.xlane v3, v0;
	_ =	sdelay $0x1  }
0x16b: {  	v4 =	vadd.s32 v1, v4;
	_ =	sdelay $0x1  }
0x16c: {  	v3 =	vperm.xlane v3, v2;
	_ =	sdelay $0x1  }
0x16d: {  	v3 =	vadd.s32 v1, v3  }
0x16e: {  	[hbm4b:s2+s3] =	stream.indirect_vreg.scatter [tilespmem:s14], [sflag:$0x4], $0x80, v4, vm0, $0xb8;
	[tilespmem:$0x12400] =	vst v63  }
0x16f: {  	_ = 	snop  }
0x170: {  	[hbm4b:s4+s3] =	stream.indirect_vreg.scatter [tilespmem:s15], [sflag:$0x4], $0x80, v4, vm1, $0xb8;
	[tilespmem:$0x12400] =	vst v63  }
0x171: {  	_ = 	snop  }
0x172: {  	[hbm4b:s2+s3] =	stream.indirect_vreg.scatter [tilespmem:s16], [sflag:$0x4], $0x80, v3, vm0, $0xb8;
	[tilespmem:$0x12400] =	vst v63  }
0x173: {  	_ = 	snop  }
0x174: {  	[hbm4b:s4+s3] =	stream.indirect_vreg.scatter [tilespmem:s17], [sflag:$0x4], $0x80, v3, vm1, $0xb8;
	[tilespmem:$0x12400] =	vst v63  }
0x175: {  	v3 =	vld [tilespmem:$0x1A0];
	_ =	sdelay $0x4  }
0x176: {  	v48 =	vshrl.u32 v3, $0x3  }
0x177: {  	v4 =	vmul.u32 $0x18, v48  }
0x178: {  	v3 =	vand.u32 $0x7, v3  }
0x179: {  	v3 =	vor.u32 v3, v4  }
0x17a: {  	v4 =	vperm.xlane v3, v0;
	_ =	sdelay $0x1  }
0x17b: {  	v4 =	vadd.s32 v1, v4;
	_ =	sdelay $0x1  }
0x17c: {  	v3 =	vperm.xlane v3, v2;
	_ =	sdelay $0x1  }
0x17d: {  	v3 =	vadd.s32 v1, v3  }
0x17e: {  	[hbm4b:s2+s3] =	stream.indirect_vreg.scatter [tilespmem:s18], [sflag:$0x4], $0x80, v4, vm0, $0xb8;
	[tilespmem:$0x12400] =	vst v63  }
0x17f: {  	_ = 	snop  }
0x180: {  	[hbm4b:s4+s3] =	stream.indirect_vreg.scatter [tilespmem:s19], [sflag:$0x4], $0x80, v4, vm1, $0xb8;
	[tilespmem:$0x12400] =	vst v63  }
0x181: {  	_ = 	snop  }
0x182: {  	[hbm4b:s2+s3] =	stream.indirect_vreg.scatter [tilespmem:s20], [sflag:$0x4], $0x80, v3, vm0, $0xb8;
	[tilespmem:$0x12400] =	vst v63  }
0x183: {  	_ = 	snop  }
0x184: {  	[hbm4b:s4+s3] =	stream.indirect_vreg.scatter [tilespmem:s21], [sflag:$0x4], $0x80, v3, vm1, $0xb8;
	[tilespmem:$0x12400] =	vst v63  }
0x185: {  	v3 =	vld [tilespmem:$0x1B0];
	_ =	sdelay $0x4  }
0x186: {  	v49 =	vshrl.u32 v3, $0x3  }
0x187: {  	v4 =	vmul.u32 $0x18, v49  }
0x188: {  	v3 =	vand.u32 $0x7, v3  }
0x189: {  	v3 =	vor.u32 v3, v4  }
0x18a: {  	v4 =	vperm.xlane v3, v0;
	_ =	sdelay $0x1  }
0x18b: {  	v4 =	vadd.s32 v1, v4;
	_ =	sdelay $0x1  }
0x18c: {  	v3 =	vperm.xlane v3, v2;
	_ =	sdelay $0x1  }
0x18d: {  	v3 =	vadd.s32 v1, v3  }
0x18e: {  	[hbm4b:s2+s3] =	stream.indirect_vreg.scatter [tilespmem:s22], [sflag:$0x4], $0x80, v4, vm0, $0xb8;
	[tilespmem:$0x12400] =	vst v63  }
0x18f: {  	_ = 	snop  }
0x190: {  	[hbm4b:s4+s3] =	stream.indirect_vreg.scatter [tilespmem:s23], [sflag:$0x4], $0x80, v4, vm1, $0xb8;
	[tilespmem:$0x12400] =	vst v63  }
0x191: {  	_ = 	snop  }
0x192: {  	[hbm4b:s2+s3] =	stream.indirect_vreg.scatter [tilespmem:s24], [sflag:$0x4], $0x80, v3, vm0, $0xb8;
	[tilespmem:$0x12400] =	vst v63  }
0x193: {  	_ = 	snop  }
0x194: {  	[hbm4b:s4+s3] =	stream.indirect_vreg.scatter [tilespmem:s25], [sflag:$0x4], $0x80, v3, vm1, $0xb8;
	[tilespmem:$0x12400] =	vst v63  }
0x195: {  	v3 =	vld [tilespmem:$0x1C0];
	_ =	sdelay $0x4  }
0x196: {  	v50 =	vshrl.u32 v3, $0x3  }
0x197: {  	v4 =	vmul.u32 $0x18, v50  }
0x198: {  	v3 =	vand.u32 $0x7, v3  }
0x199: {  	v3 =	vor.u32 v3, v4  }
0x19a: {  	v4 =	vperm.xlane v3, v0;
	_ =	sdelay $0x1  }
0x19b: {  	v4 =	vadd.s32 v1, v4;
	_ =	sdelay $0x1  }
0x19c: {  	v3 =	vperm.xlane v3, v2;
	_ =	sdelay $0x1  }
0x19d: {  	v3 =	vadd.s32 v1, v3  }
0x19e: {  	[hbm4b:s2+s3] =	stream.indirect_vreg.scatter [tilespmem:s26], [sflag:$0x4], $0x80, v4, vm0, $0xb8;
	[tilespmem:$0x12400] =	vst v63  }
0x19f: {  	_ = 	snop  }
0x1a0: {  	[hbm4b:s4+s3] =	stream.indirect_vreg.scatter [tilespmem:s28], [sflag:$0x4], $0x80, v4, vm1, $0xb8;
	[tilespmem:$0x12400] =	vst v63  }
0x1a1: {  	_ = 	snop  }
0x1a2: {  	[hbm4b:s2+s3] =	stream.indirect_vreg.scatter [tilespmem:s29], [sflag:$0x4], $0x80, v3, vm0, $0xb8;
	[tilespmem:$0x12400] =	vst v63  }
0x1a3: {  	_ = 	snop  }
0x1a4: {  	[hbm4b:s4+s3] =	stream.indirect_vreg.scatter [tilespmem:s30], [sflag:$0x4], $0x80, v3, vm1, $0xb8;
	[tilespmem:$0x12400] =	vst v63  }
0x1a5: {  	v3 =	vld [tilespmem:$0x1D0];
	_ =	sdelay $0x4  }
0x1a6: {  	v51 =	vshrl.u32 v3, $0x3  }
0x1a7: {  	v4 =	vmul.u32 $0x18, v51  }
0x1a8: {  	v3 =	vand.u32 $0x7, v3  }
0x1a9: {  	v3 =	vor.u32 v3, v4  }
0x1aa: {  	v4 =	vperm.xlane v3, v0;
	_ =	sdelay $0x1  }
0x1ab: {  	v4 =	vadd.s32 v1, v4;
	_ =	sdelay $0x1  }
0x1ac: {  	v3 =	vperm.xlane v3, v2;
	_ =	sdelay $0x1  }
0x1ad: {  	v3 =	vadd.s32 v1, v3  }
0x1ae: {  	[hbm4b:s2+s3] =	stream.indirect_vreg.scatter [tilespmem:s31], [sflag:$0x4], $0x80, v4, vm0, $0xb8;
	[tilespmem:$0x12400] =	vst v63  }
0x1af: {  	s13 =	simm.s32 $0x11400  }
0x1b0: {  	[hbm4b:s4+s3] =	stream.indirect_vreg.scatter [tilespmem:s13], [sflag:$0x4], $0x80, v4, vm1, $0xb8;
	[tilespmem:$0x12400] =	vst v63  }
0x1b1: {  	s13 =	simm.s32 $0x11800  }
0x1b2: {  	[hbm4b:s2+s3] =	stream.indirect_vreg.scatter [tilespmem:s13], [sflag:$0x4], $0x80, v3, vm0, $0xb8;
	[tilespmem:$0x12400] =	vst v63  }
0x1b3: {  	s13 =	simm.s32 $0x12000  }
0x1b4: {  	[hbm4b:s4+s3] =	stream.indirect_vreg.scatter [tilespmem:s13], [sflag:$0x4], $0x80, v3, vm1, $0xb8;
	[tilespmem:$0x12400] =	vst v63  }
0x1b5: {  	_ =	swait.ge [sflag:s12], $0x9000  }
0x1b6: {  	[sflag:s12] =	ssyncset.done $0x0  }
0x1b7: {  	s13 =	rddreg [dreg:$0x9];
	[sflag:s12] =	ssyncadd.s32 $0xFFFF7000  }
0x1b8: {  	[tilespmem:s0], [sflag:$0x2] =	stream.linear.gather [hbm4b:s13+s3], $0x9000, $0x38;
	[tilespmem:$0x12400] =	vst v63  }
0x1b9: {  	_ =	swait.ge [sflag:s9], $0x9000  }
0x1ba: {  	[sflag:s9] =	ssyncset.done $0x0  }
0x1bb: {  	[sflag:s9] =	ssyncadd.s32 $0xFFFF7000  }
0x1bc: {  	v3 =	vld [tilespmem:$0x200];
	_ =	sdelay $0x4  }
0x1bd: {  	v52 =	vshrl.u32 v3, $0x3  }
0x1be: {  	v4 =	vmul.u32 $0x18, v52  }
0x1bf: {  	v3 =	vand.u32 $0x7, v3  }
0x1c0: {  	v3 =	vor.u32 v3, v4  }
0x1c1: {  	v4 =	vperm.xlane v3, v0;
	_ =	sdelay $0x1  }
0x1c2: {  	v4 =	vadd.s32 v1, v4;
	_ =	sdelay $0x1  }
0x1c3: {  	v3 =	vperm.xlane v3, v2;
	_ =	sdelay $0x1  }
0x1c4: {  	v3 =	vadd.s32 v1, v3  }
0x1c5: {  	[hbm4b:s2+s3] =	stream.indirect_vreg.scatter [tilespmem:s8], [sflag:$0x3], $0x80, v4, vm0, $0xb8;
	[tilespmem:$0x12400] =	vst v63  }
0x1c6: {  	s13 =	simm.s32 $0xC00  }
0x1c7: {  	[hbm4b:s4+s3] =	stream.indirect_vreg.scatter [tilespmem:s13], [sflag:$0x3], $0x80, v4, vm1, $0xb8;
	[tilespmem:$0x12400] =	vst v63  }
0x1c8: {  	s13 =	simm.s32 $0x1000  }
0x1c9: {  	[hbm4b:s2+s3] =	stream.indirect_vreg.scatter [tilespmem:s13], [sflag:$0x3], $0x80, v3, vm0, $0xb8;
	[tilespmem:$0x12400] =	vst v63  }
0x1ca: {  	s13 =	simm.s32 $0x1800  }
0x1cb: {  	[hbm4b:s4+s3] =	stream.indirect_vreg.scatter [tilespmem:s13], [sflag:$0x3], $0x80, v3, vm1, $0xb8;
	[tilespmem:$0x12400] =	vst v63  }
0x1cc: {  	v3 =	vld [tilespmem:$0x210];
	_ =	sdelay $0x4  }
0x1cd: {  	v53 =	vshrl.u32 v3, $0x3  }
0x1ce: {  	v4 =	vmul.u32 $0x18, v53  }
0x1cf: {  	v3 =	vand.u32 $0x7, v3  }
0x1d0: {  	v3 =	vor.u32 v3, v4  }
0x1d1: {  	v4 =	vperm.xlane v3, v0;
	_ =	sdelay $0x1  }
0x1d2: {  	v4 =	vadd.s32 v1, v4;
	_ =	sdelay $0x1  }
0x1d3: {  	v3 =	vperm.xlane v3, v2;
	_ =	sdelay $0x1  }
0x1d4: {  	s13 =	simm.s32 $0x1C00;
	v3 =	vadd.s32 v1, v3  }
0x1d5: {  	[hbm4b:s2+s3] =	stream.indirect_vreg.scatter [tilespmem:s13], [sflag:$0x3], $0x80, v4, vm0, $0xb8;
	[tilespmem:$0x12400] =	vst v63  }
0x1d6: {  	s13 =	simm.s32 $0x2400  }
0x1d7: {  	[hbm4b:s4+s3] =	stream.indirect_vreg.scatter [tilespmem:s13], [sflag:$0x3], $0x80, v4, vm1, $0xb8;
	[tilespmem:$0x12400] =	vst v63  }
0x1d8: {  	s13 =	simm.s32 $0x2800  }
0x1d9: {  	[hbm4b:s2+s3] =	stream.indirect_vreg.scatter [tilespmem:s13], [sflag:$0x3], $0x80, v3, vm0, $0xb8;
	[tilespmem:$0x12400] =	vst v63  }
0x1da: {  	s13 =	simm.s32 $0x3000  }
0x1db: {  	[hbm4b:s4+s3] =	stream.indirect_vreg.scatter [tilespmem:s13], [sflag:$0x3], $0x80, v3, vm1, $0xb8;
	[tilespmem:$0x12400] =	vst v63  }
0x1dc: {  	v3 =	vld [tilespmem:$0x220];
	_ =	sdelay $0x4  }
0x1dd: {  	v54 =	vshrl.u32 v3, $0x3  }
0x1de: {  	v4 =	vmul.u32 $0x18, v54  }
0x1df: {  	v3 =	vand.u32 $0x7, v3  }
0x1e0: {  	v3 =	vor.u32 v3, v4  }
0x1e1: {  	v4 =	vperm.xlane v3, v0;
	_ =	sdelay $0x1  }
0x1e2: {  	v4 =	vadd.s32 v1, v4;
	_ =	sdelay $0x1  }
0x1e3: {  	v3 =	vperm.xlane v3, v2;
	_ =	sdelay $0x1  }
0x1e4: {  	s13 =	simm.s32 $0x3400;
	v3 =	vadd.s32 v1, v3  }
0x1e5: {  	[hbm4b:s2+s3] =	stream.indirect_vreg.scatter [tilespmem:s13], [sflag:$0x3], $0x80, v4, vm0, $0xb8;
	[tilespmem:$0x12400] =	vst v63  }
0x1e6: {  	s13 =	simm.s32 $0x3C00  }
0x1e7: {  	[hbm4b:s4+s3] =	stream.indirect_vreg.scatter [tilespmem:s13], [sflag:$0x3], $0x80, v4, vm1, $0xb8;
	[tilespmem:$0x12400] =	vst v63  }
0x1e8: {  	s13 =	simm.s32 $0x4000  }
0x1e9: {  	[hbm4b:s2+s3] =	stream.indirect_vreg.scatter [tilespmem:s13], [sflag:$0x3], $0x80, v3, vm0, $0xb8;
	[tilespmem:$0x12400] =	vst v63  }
0x1ea: {  	s13 =	simm.s32 $0x4800  }
0x1eb: {  	[hbm4b:s4+s3] =	stream.indirect_vreg.scatter [tilespmem:s13], [sflag:$0x3], $0x80, v3, vm1, $0xb8;
	[tilespmem:$0x12400] =	vst v63  }
0x1ec: {  	v3 =	vld [tilespmem:$0x230];
	_ =	sdelay $0x4  }
0x1ed: {  	v55 =	vshrl.u32 v3, $0x3  }
0x1ee: {  	v4 =	vmul.u32 $0x18, v55  }
0x1ef: {  	v3 =	vand.u32 $0x7, v3  }
0x1f0: {  	v3 =	vor.u32 v3, v4  }
0x1f1: {  	v4 =	vperm.xlane v3, v0;
	_ =	sdelay $0x1  }
0x1f2: {  	v4 =	vadd.s32 v1, v4;
	_ =	sdelay $0x1  }
0x1f3: {  	v3 =	vperm.xlane v3, v2;
	_ =	sdelay $0x1  }
0x1f4: {  	s13 =	simm.s32 $0x4C00;
	v3 =	vadd.s32 v1, v3  }
0x1f5: {  	[hbm4b:s2+s3] =	stream.indirect_vreg.scatter [tilespmem:s13], [sflag:$0x3], $0x80, v4, vm0, $0xb8;
	[tilespmem:$0x12400] =	vst v63  }
0x1f6: {  	s13 =	simm.s32 $0x5400  }
0x1f7: {  	[hbm4b:s4+s3] =	stream.indirect_vreg.scatter [tilespmem:s13], [sflag:$0x3], $0x80, v4, vm1, $0xb8;
	[tilespmem:$0x12400] =	vst v63  }
0x1f8: {  	s13 =	simm.s32 $0x5800  }
0x1f9: {  	[hbm4b:s2+s3] =	stream.indirect_vreg.scatter [tilespmem:s13], [sflag:$0x3], $0x80, v3, vm0, $0xb8;
	[tilespmem:$0x12400] =	vst v63  }
0x1fa: {  	s13 =	simm.s32 $0x6000  }
0x1fb: {  	[hbm4b:s4+s3] =	stream.indirect_vreg.scatter [tilespmem:s13], [sflag:$0x3], $0x80, v3, vm1, $0xb8;
	[tilespmem:$0x12400] =	vst v63  }
0x1fc: {  	v3 =	vld [tilespmem:$0x240];
	_ =	sdelay $0x4  }
0x1fd: {  	v56 =	vshrl.u32 v3, $0x3  }
0x1fe: {  	v4 =	vmul.u32 $0x18, v56  }
0x1ff: {  	v3 =	vand.u32 $0x7, v3  }
0x200: {  	v3 =	vor.u32 v3, v4  }
0x201: {  	v4 =	vperm.xlane v3, v0;
	_ =	sdelay $0x1  }
0x202: {  	v4 =	vadd.s32 v1, v4;
	_ =	sdelay $0x1  }
0x203: {  	v3 =	vperm.xlane v3, v2;
	_ =	sdelay $0x1  }
0x204: {  	s13 =	simm.s32 $0x6400;
	v3 =	vadd.s32 v1, v3  }
0x205: {  	[hbm4b:s2+s3] =	stream.indirect_vreg.scatter [tilespmem:s13], [sflag:$0x3], $0x80, v4, vm0, $0xb8;
	[tilespmem:$0x12400] =	vst v63  }
0x206: {  	s13 =	simm.s32 $0x6C00  }
0x207: {  	[hbm4b:s4+s3] =	stream.indirect_vreg.scatter [tilespmem:s13], [sflag:$0x3], $0x80, v4, vm1, $0xb8;
	[tilespmem:$0x12400] =	vst v63  }
0x208: {  	s13 =	simm.s32 $0x7000  }
0x209: {  	[hbm4b:s2+s3] =	stream.indirect_vreg.scatter [tilespmem:s13], [sflag:$0x3], $0x80, v3, vm0, $0xb8;
	[tilespmem:$0x12400] =	vst v63  }
0x20a: {  	s13 =	simm.s32 $0x7800  }
0x20b: {  	[hbm4b:s4+s3] =	stream.indirect_vreg.scatter [tilespmem:s13], [sflag:$0x3], $0x80, v3, vm1, $0xb8;
	[tilespmem:$0x12400] =	vst v63  }
0x20c: {  	v3 =	vld [tilespmem:$0x250];
	_ =	sdelay $0x4  }
0x20d: {  	v57 =	vshrl.u32 v3, $0x3  }
0x20e: {  	v4 =	vmul.u32 $0x18, v57  }
0x20f: {  	v3 =	vand.u32 $0x7, v3  }
0x210: {  	v3 =	vor.u32 v3, v4  }
0x211: {  	v4 =	vperm.xlane v3, v0;
	_ =	sdelay $0x1  }
0x212: {  	v4 =	vadd.s32 v1, v4;
	_ =	sdelay $0x1  }
0x213: {  	v3 =	vperm.xlane v3, v2;
	_ =	sdelay $0x1  }
0x214: {  	s13 =	simm.s32 $0x7C00;
	v3 =	vadd.s32 v1, v3  }
0x215: {  	[hbm4b:s2+s3] =	stream.indirect_vreg.scatter [tilespmem:s13], [sflag:$0x3], $0x80, v4, vm0, $0xb8;
	[tilespmem:$0x12400] =	vst v63  }
0x216: {  	s13 =	simm.s32 $0x8400  }
0x217: {  	[hbm4b:s4+s3] =	stream.indirect_vreg.scatter [tilespmem:s13], [sflag:$0x3], $0x80, v4, vm1, $0xb8;
	[tilespmem:$0x12400] =	vst v63  }
0x218: {  	s13 =	simm.s32 $0x8800  }
0x219: {  	[hbm4b:s2+s3] =	stream.indirect_vreg.scatter [tilespmem:s13], [sflag:$0x3], $0x80, v3, vm0, $0xb8;
	[tilespmem:$0x12400] =	vst v63  }
0x21a: {  	s13 =	simm.s32 $0x9000  }
0x21b: {  	[hbm4b:s4+s3] =	stream.indirect_vreg.scatter [tilespmem:s13], [sflag:$0x3], $0x80, v3, vm1, $0xb8;
	[tilespmem:$0x12400] =	vst v63  }
0x21c: {  	_ =	swait.ge [sflag:s10], $0x9000  }
0x21d: {  	[sflag:s10] =	ssyncset.done $0x0  }
0x21e: {  	[sflag:s10] =	ssyncadd.s32 $0xFFFF7000  }
0x21f: {  	v3 =	vld [tilespmem:$0x280];
	_ =	sdelay $0x4  }
0x220: {  	v58 =	vshrl.u32 v3, $0x3  }
0x221: {  	v4 =	vmul.u32 $0x18, v58  }
0x222: {  	v3 =	vand.u32 $0x7, v3  }
0x223: {  	v3 =	vor.u32 v3, v4  }
0x224: {  	v4 =	vperm.xlane v3, v0;
	_ =	sdelay $0x1  }
0x225: {  	v4 =	vadd.s32 v1, v4;
	_ =	sdelay $0x1  }
0x226: {  	v3 =	vperm.xlane v3, v2;
	_ =	sdelay $0x1  }
0x227: {  	v3 =	vadd.s32 v1, v3  }
0x228: {  	[hbm4b:s2+s3] =	stream.indirect_vreg.scatter [tilespmem:s0], [sflag:$0x4], $0x80, v4, vm0, $0xb8;
	[tilespmem:$0x12400] =	vst v63  }
0x229: {  	_ = 	snop  }
0x22a: {  	[hbm4b:s4+s3] =	stream.indirect_vreg.scatter [tilespmem:s1], [sflag:$0x4], $0x80, v4, vm1, $0xb8;
	[tilespmem:$0x12400] =	vst v63  }
0x22b: {  	_ = 	snop  }
0x22c: {  	[hbm4b:s2+s3] =	stream.indirect_vreg.scatter [tilespmem:s7], [sflag:$0x4], $0x80, v3, vm0, $0xb8;
	[tilespmem:$0x12400] =	vst v63  }
0x22d: {  	_ = 	snop  }
0x22e: {  	[hbm4b:s4+s3] =	stream.indirect_vreg.scatter [tilespmem:s11], [sflag:$0x4], $0x80, v3, vm1, $0xb8;
	[tilespmem:$0x12400] =	vst v63  }
0x22f: {  	v3 =	vld [tilespmem:$0x290];
	_ =	sdelay $0x4  }
0x230: {  	v59 =	vshrl.u32 v3, $0x3  }
0x231: {  	v4 =	vmul.u32 $0x18, v59  }
0x232: {  	v3 =	vand.u32 $0x7, v3  }
0x233: {  	v3 =	vor.u32 v3, v4  }
0x234: {  	v4 =	vperm.xlane v3, v0;
	_ =	sdelay $0x1  }
0x235: {  	v4 =	vadd.s32 v1, v4;
	_ =	sdelay $0x1  }
0x236: {  	v3 =	vperm.xlane v3, v2;
	_ =	sdelay $0x1  }
0x237: {  	v3 =	vadd.s32 v1, v3  }
0x238: {  	[hbm4b:s2+s3] =	stream.indirect_vreg.scatter [tilespmem:s14], [sflag:$0x4], $0x80, v4, vm0, $0xb8;
	[tilespmem:$0x12400] =	vst v63  }
0x239: {  	_ = 	snop  }
0x23a: {  	[hbm4b:s4+s3] =	stream.indirect_vreg.scatter [tilespmem:s15], [sflag:$0x4], $0x80, v4, vm1, $0xb8;
	[tilespmem:$0x12400] =	vst v63  }
0x23b: {  	_ = 	snop  }
0x23c: {  	[hbm4b:s2+s3] =	stream.indirect_vreg.scatter [tilespmem:s16], [sflag:$0x4], $0x80, v3, vm0, $0xb8;
	[tilespmem:$0x12400] =	vst v63  }
0x23d: {  	_ = 	snop  }
0x23e: {  	[hbm4b:s4+s3] =	stream.indirect_vreg.scatter [tilespmem:s17], [sflag:$0x4], $0x80, v3, vm1, $0xb8;
	[tilespmem:$0x12400] =	vst v63  }
0x23f: {  	v3 =	vld [tilespmem:$0x2A0];
	_ =	sdelay $0x4  }
0x240: {  	v60 =	vshrl.u32 v3, $0x3  }
0x241: {  	v4 =	vmul.u32 $0x18, v60  }
0x242: {  	v3 =	vand.u32 $0x7, v3  }
0x243: {  	v3 =	vor.u32 v3, v4  }
0x244: {  	v4 =	vperm.xlane v3, v0;
	_ =	sdelay $0x1  }
0x245: {  	v4 =	vadd.s32 v1, v4;
	_ =	sdelay $0x1  }
0x246: {  	v3 =	vperm.xlane v3, v2;
	_ =	sdelay $0x1  }
0x247: {  	v3 =	vadd.s32 v1, v3  }
0x248: {  	[hbm4b:s2+s3] =	stream.indirect_vreg.scatter [tilespmem:s18], [sflag:$0x4], $0x80, v4, vm0, $0xb8;
	[tilespmem:$0x12400] =	vst v63  }
0x249: {  	_ = 	snop  }
0x24a: {  	[hbm4b:s4+s3] =	stream.indirect_vreg.scatter [tilespmem:s19], [sflag:$0x4], $0x80, v4, vm1, $0xb8;
	[tilespmem:$0x12400] =	vst v63  }
0x24b: {  	_ = 	snop  }
0x24c: {  	[hbm4b:s2+s3] =	stream.indirect_vreg.scatter [tilespmem:s20], [sflag:$0x4], $0x80, v3, vm0, $0xb8;
	[tilespmem:$0x12400] =	vst v63  }
0x24d: {  	_ = 	snop  }
0x24e: {  	[hbm4b:s4+s3] =	stream.indirect_vreg.scatter [tilespmem:s21], [sflag:$0x4], $0x80, v3, vm1, $0xb8;
	[tilespmem:$0x12400] =	vst v63  }
0x24f: {  	v3 =	vld [tilespmem:$0x2B0];
	_ =	sdelay $0x4  }
0x250: {  	v61 =	vshrl.u32 v3, $0x3  }
0x251: {  	v4 =	vmul.u32 $0x18, v61  }
0x252: {  	v3 =	vand.u32 $0x7, v3  }
0x253: {  	v3 =	vor.u32 v3, v4  }
0x254: {  	v4 =	vperm.xlane v3, v0;
	_ =	sdelay $0x1  }
0x255: {  	v4 =	vadd.s32 v1, v4;
	_ =	sdelay $0x1  }
0x256: {  	v3 =	vperm.xlane v3, v2;
	_ =	sdelay $0x1  }
0x257: {  	v3 =	vadd.s32 v1, v3  }
0x258: {  	[hbm4b:s2+s3] =	stream.indirect_vreg.scatter [tilespmem:s22], [sflag:$0x4], $0x80, v4, vm0, $0xb8;
	[tilespmem:$0x12400] =	vst v63  }
0x259: {  	_ = 	snop  }
0x25a: {  	[hbm4b:s4+s3] =	stream.indirect_vreg.scatter [tilespmem:s23], [sflag:$0x4], $0x80, v4, vm1, $0xb8;
	[tilespmem:$0x12400] =	vst v63  }
0x25b: {  	_ = 	snop  }
0x25c: {  	[hbm4b:s2+s3] =	stream.indirect_vreg.scatter [tilespmem:s24], [sflag:$0x4], $0x80, v3, vm0, $0xb8;
	[tilespmem:$0x12400] =	vst v63  }
0x25d: {  	_ = 	snop  }
0x25e: {  	[hbm4b:s4+s3] =	stream.indirect_vreg.scatter [tilespmem:s25], [sflag:$0x4], $0x80, v3, vm1, $0xb8;
	[tilespmem:$0x12400] =	vst v63  }
0x25f: {  	v3 =	vld [tilespmem:$0x2C0];
	_ =	sdelay $0x4  }
0x260: {  	v62 =	vshrl.u32 v3, $0x3  }
0x261: {  	v4 =	vmul.u32 $0x18, v62  }
0x262: {  	v3 =	vand.u32 $0x7, v3  }
0x263: {  	v3 =	vor.u32 v3, v4  }
0x264: {  	v4 =	vperm.xlane v3, v0;
	_ =	sdelay $0x1  }
0x265: {  	v4 =	vadd.s32 v1, v4;
	_ =	sdelay $0x1  }
0x266: {  	v3 =	vperm.xlane v3, v2;
	_ =	sdelay $0x1  }
0x267: {  	v3 =	vadd.s32 v1, v3  }
0x268: {  	[hbm4b:s2+s3] =	stream.indirect_vreg.scatter [tilespmem:s26], [sflag:$0x4], $0x80, v4, vm0, $0xb8;
	[tilespmem:$0x12400] =	vst v63  }
0x269: {  	_ = 	snop  }
0x26a: {  	[hbm4b:s4+s3] =	stream.indirect_vreg.scatter [tilespmem:s28], [sflag:$0x4], $0x80, v4, vm1, $0xb8;
	[tilespmem:$0x12400] =	vst v63  }
0x26b: {  	_ = 	snop  }
0x26c: {  	[hbm4b:s2+s3] =	stream.indirect_vreg.scatter [tilespmem:s29], [sflag:$0x4], $0x80, v3, vm0, $0xb8;
	[tilespmem:$0x12400] =	vst v63  }
0x26d: {  	_ = 	snop  }
0x26e: {  	[hbm4b:s4+s3] =	stream.indirect_vreg.scatter [tilespmem:s30], [sflag:$0x4], $0x80, v3, vm1, $0xb8;
	[tilespmem:$0x12400] =	vst v63  }
0x26f: {  	v3 =	vld [tilespmem:$0x2D0];
	_ =	sdelay $0x4  }
0x270: {  	v63 =	vshrl.u32 v3, $0x3  }
0x271: {  	v4 =	vmul.u32 $0x18, v63  }
0x272: {  	v3 =	vand.u32 $0x7, v3  }
0x273: {  	v3 =	vor.u32 v3, v4  }
0x274: {  	v4 =	vperm.xlane v3, v0;
	_ =	sdelay $0x1  }
0x275: {  	v4 =	vadd.s32 v1, v4;
	_ =	sdelay $0x1  }
0x276: {  	v3 =	vperm.xlane v3, v2;
	_ =	sdelay $0x1  }
0x277: {  	v3 =	vadd.s32 v1, v3  }
0x278: {  	[hbm4b:s2+s3] =	stream.indirect_vreg.scatter [tilespmem:s31], [sflag:$0x4], $0x80, v4, vm0, $0xb8;
	[tilespmem:$0x12400] =	vst v63  }
0x279: {  	s8 =	simm.s32 $0x11400  }
0x27a: {  	[hbm4b:s4+s3] =	stream.indirect_vreg.scatter [tilespmem:s8], [sflag:$0x4], $0x80, v4, vm1, $0xb8;
	[tilespmem:$0x12400] =	vst v63  }
0x27b: {  	s13 =	simm.s32 $0x11800  }
0x27c: {  	[hbm4b:s2+s3] =	stream.indirect_vreg.scatter [tilespmem:s13], [sflag:$0x4], $0x80, v3, vm0, $0xb8;
	[tilespmem:$0x12400] =	vst v63  }
0x27d: {  	s14 =	simm.s32 $0x12000  }
0x27e: {  	[hbm4b:s4+s3] =	stream.indirect_vreg.scatter [tilespmem:s14], [sflag:$0x4], $0x80, v3, vm1, $0xb8;
	[tilespmem:$0x12400] =	vst v63  }
0x27f: {  	p0 =	sne.s32 s5, $0x1;
	_ =	swait.ge [sflag:s6], $0x9000  }
.Ltmp0:
0x280: {  	[sflag:s6] =	ssyncset.done $0x0;
	(pc) =	sbr.rel @p0 .LBB2_1-.Ltmp0, $4  }
0x281: {  	[sflag:s6] =	ssyncadd.s32 $0xFFFF7000  }
0x282: {  	_ =	swait.ge [sflag:s12], $0x9000  }
0x283: {  	[sflag:s12] =	ssyncset.done $0x0  }
0x284: {  	s5 =	sadd.s32 $0xFFFFFFFF, s5;
	[sflag:s12] =	ssyncadd.s32 $0xFFFF7000  }
0x285: {  	_ =	sfence.sel $0x180000  }
0x286: {  	[bflag:$0x0] =	sbarrier.arrive $0xFFFF  }
0x287: {  	_ =	strace $0x9000004A  }
0x288: {  	s0 =	stileid.u32;
	[bflag:$0x2] =	sbarrier.arrive $0xFFFF  }
0x289: {  	p0 =	sne.s32 s0, $0x0;
	s0 =	rddreg [dreg:$0x2]  }
0x28a: {  	s0 =	sadd.s32 @!p0 $0x100000, s0  }
0x28b: {  	[sflag:s0] =	ssyncadd.tile.s32 @!p0 $0x1;
	_ =	shalt  }
.Lfunc_end2:
_tile_overlayer_lowered:
.L_overlay_start_2:
0x28c: {  	(tag) =	ssettag $0x2  }
0x28d: {  	s0 =	rddreg [dreg:$0x0];
	s2 =	stileid.u32  }
0x28e: {  	s1 =	rddreg [dreg:$0x1];
	p0 =	sne.s32 s2, $0x0  }
0x28f: {  	s3 =	rddreg [dreg:$0x2];
	[bflag:$0x3] =	sbarrier.arrive $0xFFFF;
	s2 =	simm.s32 @!p0 $0x1C05  }
0x290: {  	[timem:s3], [sflag:s2] =	dma.local @!p0 [hbm:s0], s1  }
0x291: {  	s0 =	simm.s32 @!p0 $0x5  }
0x292: {  	_ =	swait.ge @!p0 [sflag:s0], s1  }
0x293: {  	s1 =	ssub.s32 @!p0 $0x0, s1;
	[sflag:s0] =	ssyncset.done @!p0 $0x0  }
0x294: {  	[sflag:s0] =	ssyncadd.s32 @!p0 s1  }
0x295: {  	[bflag:$0x3] =	sbarrier.arrive $0xFFFF  }
0x296: {  	_ =	shalt  }

</sc_bundles>
